<compile_context>
chip_gen: v7x
topology: tpu7x:2x2x1
jax: 0.10.2.dev20260603
libtpu: 0.0.44.dev20260713+nightly
codegen_flags: <defaults>
</compile_context>

<pallas_src>
import functools

import jax
import jax.numpy as jnp
from jax import lax
from jax.experimental import pallas as pl
from jax.experimental.pallas import tpu as pltpu
from jax.experimental.pallas import tpu_sc as plsc

N = 10000
E = 320000
D = 128
FF = 256

NC = 2
NS = 16
CHUNK = 80
NCHUNKS = E // CHUNK
CH_T = NCHUNKS // (NC * NS)
MCH = 128
NCHM = E // MCH
KT = (NCHM + NC * NS - 1) // (NC * NS)
RB = 2000
NB = N // RB

_mesh = plsc.VectorSubcoreMesh(core_axis_name="c", subcore_axis_name="s")


@functools.partial(
    pl.kernel,
    out_type=jax.ShapeDtypeStruct((NC, N), jnp.float32),
    mesh=_mesh,
    scratch_types=[
        pltpu.VMEM((CHUNK,), jnp.int32),
        pltpu.VMEM((CHUNK,), jnp.int32),
        pltpu.VMEM((CHUNK,), jnp.float32),
        pltpu.VMEM_SHARED((N,), jnp.float32),
        pltpu.SemaphoreType.DMA,
        pltpu.SemaphoreType.DMA,
        pltpu.SemaphoreType.DMA,
        pltpu.SemaphoreType.DMA,
    ],
)
def _sc_degree(dst_hbm, ones_hbm, zeros_hbm, out_hbm,
               idx0, idx1, ones_v, deg_sh, isem0, ssem0, isem1, ssem1):
    c = lax.axis_index("c")
    s = lax.axis_index("s")
    wid = c * NS + s
    base0 = wid * CH_T * CHUNK

    pltpu.sync_copy(ones_hbm, ones_v)

    @pl.when(s == 0)
    def _():
        pltpu.sync_copy(zeros_hbm, deg_sh)
    plsc.subcore_barrier()

    bufs = ((idx0, isem0, ssem0), (idx1, isem1, ssem1))

    @pl.loop(0, (CH_T + 1) // 2)
    def _(i):
        for b in (0, 1):
            idx_v, isem, ssem = bufs[b]
            j = 2 * i + b

            @pl.when(j < CH_T)
            def _():
                base = base0 + j * CHUNK

                @pl.when(j >= 2)
                def _():
                    pltpu.make_async_copy(ones_v, deg_sh.at[idx_v], ssem).wait()

                pltpu.async_copy(dst_hbm.at[pl.ds(base, CHUNK)],
                                 idx_v, isem).wait()
                pltpu.async_copy(ones_v, deg_sh.at[idx_v], ssem, add=True)

    pltpu.make_async_copy(ones_v, deg_sh.at[idx0], ssem0).wait()
    pltpu.make_async_copy(ones_v, deg_sh.at[idx1], ssem1).wait()

    plsc.subcore_barrier()

    @pl.when(s == 0)
    def _():
        pltpu.sync_copy(deg_sh, out_hbm.at[c])


@functools.partial(
    pl.kernel,
    out_type=jax.ShapeDtypeStruct((NC, N, D), jnp.float32),
    mesh=_mesh,
    scratch_types=[
        pltpu.VMEM((MCH,), jnp.int32),
        pltpu.VMEM((MCH,), jnp.int32),
        pltpu.VMEM((MCH,), jnp.int32),
        pltpu.VMEM((MCH,), jnp.int32),
        pltpu.VMEM((MCH,), jnp.int32),
        pltpu.VMEM((MCH,), jnp.int32),
        pltpu.VMEM((MCH, D), jnp.float32),
        pltpu.VMEM((MCH, D), jnp.float32),
        pltpu.VMEM_SHARED((N, D), jnp.float32),
        pltpu.SemaphoreType.DMA,
        pltpu.SemaphoreType.DMA,
        pltpu.SemaphoreType.DMA,
        pltpu.SemaphoreType.DMA,
        pltpu.SemaphoreType.DMA,
        pltpu.SemaphoreType.DMA,
    ],
)
def _sc_scatter(hs_hbm, src_hbm, dst_hbm, zeros_hbm, out_hbm,
                src0, src1, dstA, dstB, dstC, dstD, rows0, rows1, acc_sh,
                isem0, gsem0, ssem0, isem1, gsem1, ssem1):
    c = lax.axis_index("c")
    s = lax.axis_index("s")
    wid = c * NS + s

    @pl.when(s == 0)
    def _():
        pltpu.sync_copy(zeros_hbm, acc_sh)
    plsc.subcore_barrier()

    srcs = (src0, src1)
    dsts = (dstA, dstB, dstC, dstD)
    rows = (rows0, rows1)
    isems = (isem0, isem1)
    gsems = (gsem0, gsem1)
    ssems = (ssem0, ssem1)

    def _base(k):
        return (wid + (NC * NS) * k) * MCH

    for k0 in (0, 1):
        pltpu.async_copy(src_hbm.at[pl.ds(_base(k0), MCH)],
                         srcs[k0], isems[k0])
        pltpu.async_copy(dst_hbm.at[pl.ds(_base(k0), MCH)],
                         dsts[k0], isems[k0])

    @pl.loop(0, (KT + 1) // 2)
    def _(i):
        for b in (0, 1):
            src_v, rows_v = srcs[b], rows[b]
            isem, gsem, ssem = isems[b], gsems[b], ssems[b]
            k = 2 * i + b
            ch = wid + (NC * NS) * k

            @pl.when(ch < NCHM)
            def _():
                base = _base(k)
                pltpu.make_async_copy(src_hbm.at[pl.ds(base, MCH)],
                                      src_v, isem).wait()
                for q in (0, 1, 2, 3):
                    @pl.when((k % 4) == q)
                    def _(q=q):
                        dq = dsts[q]
                        pltpu.make_async_copy(dst_hbm.at[pl.ds(base, MCH)],
                                              dq, isem).wait()

                        @pl.when(k >= 2)
                        def _():
                            pltpu.make_async_copy(
                                rows_v, acc_sh.at[dq], ssem).wait()

                        ch2 = wid + (NC * NS) * (k + 2)

                        @pl.when(ch2 < NCHM)
                        def _():
                            pltpu.async_copy(
                                dst_hbm.at[pl.ds(_base(k + 2), MCH)],
                                dsts[(q + 2) % 4], isem)

                        pltpu.async_copy(hs_hbm.at[src_v], rows_v, gsem).wait()

                        @pl.when(ch2 < NCHM)
                        def _():
                            pltpu.async_copy(
                                src_hbm.at[pl.ds(_base(k + 2), MCH)],
                                src_v, isem)

                        pltpu.async_copy(rows_v, acc_sh.at[dq], ssem, add=True)

    pltpu.make_async_copy(rows0, acc_sh.at[dstA], ssem0).wait()
    pltpu.make_async_copy(rows1, acc_sh.at[dstB], ssem1).wait()

    plsc.subcore_barrier()

    @pl.when(s == 0)
    def _():
        pltpu.sync_copy(acc_sh, out_hbm.at[c])


def _dot(a, b):
    return lax.dot_general(a, b, (((1,), (0,)), ((), ())),
                           precision=lax.Precision.HIGHEST,
                           preferred_element_type=jnp.float32)


def _mm_body(x_ref, w_ref, o_ref):
    o_ref[...] = _dot(x_ref[...], w_ref[...])


_mm = pl.pallas_call(
    _mm_body,
    grid=(NB,),
    in_specs=[pl.BlockSpec((RB, D), lambda i: (i, 0)),
              pl.BlockSpec((D, D), lambda i: (0, 0))],
    out_specs=pl.BlockSpec((RB, D), lambda i: (i, 0)),
    out_shape=jax.ShapeDtypeStruct((N, D), jnp.float32),
)


def _scale_body(h_ref, deg_ref, o_ref):
    dinv = lax.rsqrt(jnp.maximum(deg_ref[...] + 1.0, 1.0))
    o_ref[...] = h_ref[...] * dinv


_scale = pl.pallas_call(
    _scale_body,
    grid=(NB,),
    in_specs=[pl.BlockSpec((RB, D), lambda i: (i, 0)),
              pl.BlockSpec((RB, 1), lambda i: (i, 0))],
    out_specs=pl.BlockSpec((RB, D), lambda i: (i, 0)),
    out_shape=jax.ShapeDtypeStruct((N, D), jnp.float32),
)


def _final_body(x_ref, hs_ref, accp_ref, deg_ref, bg_ref, w1_ref, b1_ref,
                w2_ref, b2_ref, g1_ref, bb1_ref, g2_ref, bb2_ref, o_ref):
    dinv = lax.rsqrt(jnp.maximum(deg_ref[...] + 1.0, 1.0))
    g = (accp_ref[0] + accp_ref[1] + hs_ref[...]) * dinv + bg_ref[...]
    x1 = x_ref[...] + g
    mu = jnp.mean(x1, axis=1, keepdims=True)
    var = jnp.mean(jnp.square(x1 - mu), axis=1, keepdims=True)
    xn = (x1 - mu) * lax.rsqrt(var + 1e-5) * g1_ref[...] + bb1_ref[...]
    t = jnp.maximum(_dot(xn, w1_ref[...]) + b1_ref[...], 0.0)
    x2 = xn + _dot(t, w2_ref[...]) + b2_ref[...]
    mu2 = jnp.mean(x2, axis=1, keepdims=True)
    var2 = jnp.mean(jnp.square(x2 - mu2), axis=1, keepdims=True)
    o_ref[...] = (x2 - mu2) * lax.rsqrt(var2 + 1e-5) * g2_ref[...] + bb2_ref[...]


_final = pl.pallas_call(
    _final_body,
    grid=(NB,),
    in_specs=[pl.BlockSpec((RB, D), lambda i: (i, 0)),
              pl.BlockSpec((RB, D), lambda i: (i, 0)),
              pl.BlockSpec((NC, RB, D), lambda i: (0, i, 0)),
              pl.BlockSpec((RB, 1), lambda i: (i, 0)),
              pl.BlockSpec((1, D), lambda i: (0, 0)),
              pl.BlockSpec((D, FF), lambda i: (0, 0)),
              pl.BlockSpec((1, FF), lambda i: (0, 0)),
              pl.BlockSpec((FF, D), lambda i: (0, 0)),
              pl.BlockSpec((1, D), lambda i: (0, 0)),
              pl.BlockSpec((1, D), lambda i: (0, 0)),
              pl.BlockSpec((1, D), lambda i: (0, 0)),
              pl.BlockSpec((1, D), lambda i: (0, 0)),
              pl.BlockSpec((1, D), lambda i: (0, 0))],
    out_specs=pl.BlockSpec((RB, D), lambda i: (i, 0)),
    out_shape=jax.ShapeDtypeStruct((N, D), jnp.float32),
)


def kernel(x, edge_index, W_gnn, b_gnn, W1, b1, W2, b2,
           ln1_g, ln1_b, ln2_g, ln2_b):
    src = edge_index[0]
    dst = edge_index[1]
    zeros_nd = jnp.zeros((N, D), jnp.float32)
    degp = _sc_degree(dst, jnp.ones((CHUNK,), jnp.float32),
                      jnp.zeros((N,), jnp.float32))
    deg2d = (degp[0] + degp[1]).reshape(N, 1)
    h = _mm(x, W_gnn)
    hs = _scale(h, deg2d)
    accp = _sc_scatter(hs, src, dst, zeros_nd)
    return _final(x, hs, accp, deg2d, b_gnn.reshape(1, D), W1,
                  b1.reshape(1, FF), W2, b2.reshape(1, D),
                  ln1_g.reshape(1, D), ln1_b.reshape(1, D),
                  ln2_g.reshape(1, D), ln2_b.reshape(1, D))

# --- scband reference (transcript-rebuilt; emitter-appended) ---
"""Pipeline reference for scband-trans-gnnlayer-74594991997201 (READ-ONLY COPY).

The authoritative reference and input builder live on the scoring server;
editing this copy changes nothing except your own understanding.
"""

import jax, jax.numpy as jnp
import numpy as np

N = 10000
E = 320000
D = 128
FF = 256  # intermediate_fac=2 -> 128*2


def _layer_norm(x, g, b, eps=1e-5):
    mu = jnp.mean(x, axis=-1, keepdims=True)
    var = jnp.var(x, axis=-1, keepdims=True)
    return (x - mu) / jnp.sqrt(var + eps) * g + b


def _gcn_conv(x, edge_index, W, b):
    # GCNConv: add self-loops, symmetric degree normalization, gather->scatter-add
    n = x.shape[0]
    loop = jnp.arange(n, dtype=edge_index.dtype)
    src = jnp.concatenate([edge_index[0], loop])
    dst = jnp.concatenate([edge_index[1], loop])
    deg = jnp.zeros((n,), x.dtype).at[dst].add(1.0)
    dinv = jax.lax.rsqrt(jnp.maximum(deg, 1.0))
    norm = dinv[src] * dinv[dst]
    h = x @ W
    msgs = jnp.take(h, src, axis=0) * norm[:, None]
    out = jnp.zeros_like(h).at[dst].add(msgs)
    return out + b


def setup_inputs(seed: int = 0) -> dict:
    key = jax.random.key(seed)
    ks = jax.random.split(key, 6)
    x = jax.random.normal(ks[0], (N, D), dtype=jnp.float32)
    edge_index = jax.random.randint(ks[1], (2, E), 0, N, dtype=jnp.int32)
    W_gnn = jax.random.normal(ks[2], (D, D), dtype=jnp.float32) / np.sqrt(D)
    b_gnn = jnp.zeros((D,), dtype=jnp.float32)
    W1 = jax.random.normal(ks[3], (D, FF), dtype=jnp.float32) / np.sqrt(D)
    b1 = jnp.zeros((FF,), dtype=jnp.float32)
    W2 = jax.random.normal(ks[4], (FF, D), dtype=jnp.float32) / np.sqrt(FF)
    b2 = jnp.zeros((D,), dtype=jnp.float32)
    ln1_g = jnp.ones((D,), dtype=jnp.float32)
    ln1_b = jnp.zeros((D,), dtype=jnp.float32)
    ln2_g = jnp.ones((D,), dtype=jnp.float32)
    ln2_b = jnp.zeros((D,), dtype=jnp.float32)
    return {"x": x, "edge_index": edge_index, "W_gnn": W_gnn, "b_gnn": b_gnn,
            "W1": W1, "b1": b1, "W2": W2, "b2": b2,
            "ln1_g": ln1_g, "ln1_b": ln1_b, "ln2_g": ln2_g, "ln2_b": ln2_b}


def reference(x, edge_index, W_gnn, b_gnn, W1, b1, W2, b2, ln1_g, ln1_b, ln2_g, ln2_b):
    # dropout layers are identity in eval mode
    x2 = _gcn_conv(x, edge_index, W_gnn, b_gnn)
    x = x + x2  # same dim -> residual
    x = _layer_norm(x, ln1_g, ln1_b)
    x2 = jax.nn.relu(x @ W1 + b1) @ W2 + b2
    x = x + x2
    x = _layer_norm(x, ln2_g, ln2_b)
    return x

if __name__ == "__main__":
    import jax
    _d = setup_inputs()
    print(jax.jit(kernel)(*tuple(_d.values())))

</pallas_src>

<mosaic_0001>
#map = affine_map<(d0, d1) -> (0, 0)>
#map1 = affine_map<(d0, d1) -> (0)>
#map2 = affine_map<(d0, d1) -> (0, 0, 0)>
module attributes {stable_mosaic.version = 14 : i64} {
  func.func @_sc_scatter(%arg0: i32, %arg1: i32, %arg2: memref<10000x128xf32, #tpu.memory_space<hbm>>, %arg3: memref<320000xi32, #tpu.memory_space<hbm>>, %arg4: memref<320000xi32, #tpu.memory_space<hbm>>, %arg5: memref<10000x128xf32, #tpu.memory_space<hbm>>, %arg6: memref<2x10000x128xf32, #tpu.memory_space<hbm>>, %arg7: memref<128xi32, #tpu.memory_space<vmem>>, %arg8: memref<128xi32, #tpu.memory_space<vmem>>, %arg9: memref<128xi32, #tpu.memory_space<vmem>>, %arg10: memref<128xi32, #tpu.memory_space<vmem>>, %arg11: memref<128xi32, #tpu.memory_space<vmem>>, %arg12: memref<128xi32, #tpu.memory_space<vmem>>, %arg13: memref<128x128xf32, #tpu.memory_space<vmem>>, %arg14: memref<128x128xf32, #tpu.memory_space<vmem>>, %arg15: memref<10000x128xf32, #tpu.memory_space<vmem_shared>>, %arg16: memref<!tpu.dma_semaphore, #tpu.memory_space<semaphore_mem>>, %arg17: memref<!tpu.dma_semaphore, #tpu.memory_space<semaphore_mem>>, %arg18: memref<!tpu.dma_semaphore, #tpu.memory_space<semaphore_mem>>, %arg19: memref<!tpu.dma_semaphore, #tpu.memory_space<semaphore_mem>>, %arg20: memref<!tpu.dma_semaphore, #tpu.memory_space<semaphore_mem>>, %arg21: memref<!tpu.dma_semaphore, #tpu.memory_space<semaphore_mem>>) attributes {dimension_semantics = [#tpu.dimension_semantics<core_parallel>, #tpu.dimension_semantics<subcore_parallel>], iteration_bounds = array<i64: 2, 16>, scalar_prefetch = 0 : i64, scratch_operands = 15 : i64, tpu.core_type = #tpu.core_type<sc_vector_subcore>, window_params = [{transform_indices = #map}, {transform_indices = #map1}, {transform_indices = #map1}, {transform_indices = #map}, {transform_indices = #map2}]} {
    %mul3A = arith.constant 16 : i32
    %mul3A_0 = arith.muli %arg0, %mul3A : i32
    %add3A = arith.addi %mul3A_0, %arg1 : i32
    %eq3A = arith.constant 0 : i32
    %eq3A_1 = arith.cmpi eq, %arg1, %eq3A : i32
    %convert_element_type3A = arith.extui %eq3A_1 : i1 to i32
    %cond3A = arith.constant 0 : i32
    %cond3A_2 = arith.cmpi ne, %convert_element_type3A, %cond3A : i32
    scf.if %cond3A_2 {
      "tpu.region"() ({
        %run_scoped3A = tpu.sem_alloc : memref<!tpu.dma_semaphore, #tpu.memory_space<semaphore_mem>>
        tpu.enqueue_dma source(%arg5 : memref<10000x128xf32, #tpu.memory_space<hbm>>) target(%arg15 : memref<10000x128xf32, #tpu.memory_space<vmem_shared>>) target_semaphore(%run_scoped3A : memref<!tpu.dma_semaphore, #tpu.memory_space<semaphore_mem>>)
        tpu.wait_dma2 semaphore(%run_scoped3A : memref<!tpu.dma_semaphore, #tpu.memory_space<semaphore_mem>>) src(%arg5 : memref<10000x128xf32, #tpu.memory_space<hbm>>) dst(%arg15 : memref<10000x128xf32, #tpu.memory_space<vmem_shared>>)
        tpu.yield
      }) : () -> ()
    } else {
    }
    %barrier3A = arith.constant 0 : index
    tpu.barrier barrier_id(%barrier3A)
    %add3A_3 = arith.constant 0 : i32
    %add3A_4 = arith.addi %add3A, %add3A_3 : i32
    %mul3A_5 = arith.constant 128 : i32
    %mul3A_6 = arith.muli %add3A_4, %mul3A_5 : i32
    %dma_start3A = tpu.memref_slice %arg3[%mul3A_6] : memref<320000xi32, #tpu.memory_space<hbm>> -> memref<128xi32, #tpu.memory_space<hbm>>
    %dma_start3A_7 = tpu.memref_slice %arg3[%mul3A_6] : memref<320000xi32, #tpu.memory_space<hbm>> -> memref<128xi32, #tpu.memory_space<hbm>>
    tpu.enqueue_dma source(%dma_start3A_7 : memref<128xi32, #tpu.memory_space<hbm>>) target(%arg7 : memref<128xi32, #tpu.memory_space<vmem>>) target_semaphore(%arg16 : memref<!tpu.dma_semaphore, #tpu.memory_space<semaphore_mem>>)
    %add3A_8 = arith.constant 0 : i32
    %add3A_9 = arith.addi %add3A, %add3A_8 : i32
    %mul3A_10 = arith.constant 128 : i32
    %mul3A_11 = arith.muli %add3A_9, %mul3A_10 : i32
    %dma_start3A_12 = tpu.memref_slice %arg4[%mul3A_11] : memref<320000xi32, #tpu.memory_space<hbm>> -> memref<128xi32, #tpu.memory_space<hbm>>
    %dma_start3A_13 = tpu.memref_slice %arg4[%mul3A_11] : memref<320000xi32, #tpu.memory_space<hbm>> -> memref<128xi32, #tpu.memory_space<hbm>>
    tpu.enqueue_dma source(%dma_start3A_13 : memref<128xi32, #tpu.memory_space<hbm>>) target(%arg9 : memref<128xi32, #tpu.memory_space<vmem>>) target_semaphore(%arg16 : memref<!tpu.dma_semaphore, #tpu.memory_space<semaphore_mem>>)
    %add3A_14 = arith.constant 32 : i32
    %add3A_15 = arith.addi %add3A, %add3A_14 : i32
    %mul3A_16 = arith.constant 128 : i32
    %mul3A_17 = arith.muli %add3A_15, %mul3A_16 : i32
    %dma_start3A_18 = tpu.memref_slice %arg3[%mul3A_17] : memref<320000xi32, #tpu.memory_space<hbm>> -> memref<128xi32, #tpu.memory_space<hbm>>
    %dma_start3A_19 = tpu.memref_slice %arg3[%mul3A_17] : memref<320000xi32, #tpu.memory_space<hbm>> -> memref<128xi32, #tpu.memory_space<hbm>>
    tpu.enqueue_dma source(%dma_start3A_19 : memref<128xi32, #tpu.memory_space<hbm>>) target(%arg8 : memref<128xi32, #tpu.memory_space<vmem>>) target_semaphore(%arg19 : memref<!tpu.dma_semaphore, #tpu.memory_space<semaphore_mem>>)
    %add3A_20 = arith.constant 32 : i32
    %add3A_21 = arith.addi %add3A, %add3A_20 : i32
    %mul3A_22 = arith.constant 128 : i32
    %mul3A_23 = arith.muli %add3A_21, %mul3A_22 : i32
    %dma_start3A_24 = tpu.memref_slice %arg4[%mul3A_23] : memref<320000xi32, #tpu.memory_space<hbm>> -> memref<128xi32, #tpu.memory_space<hbm>>
    %dma_start3A_25 = tpu.memref_slice %arg4[%mul3A_23] : memref<320000xi32, #tpu.memory_space<hbm>> -> memref<128xi32, #tpu.memory_space<hbm>>
    tpu.enqueue_dma source(%dma_start3A_25 : memref<128xi32, #tpu.memory_space<hbm>>) target(%arg10 : memref<128xi32, #tpu.memory_space<vmem>>) target_semaphore(%arg19 : memref<!tpu.dma_semaphore, #tpu.memory_space<semaphore_mem>>)
    %scan3A = arith.constant 0 : i32
    %scan3A_26 = arith.constant 40 : i32
    %scan3A_27 = arith.addi %scan3A, %scan3A_26 : i32
    %scan3A_28 = arith.constant 1 : i32
    scf.for %scan3A_41 = %scan3A to %scan3A_27 step %scan3A_28  : i32 {
      %mul3A_42 = arith.constant 1 : i32
      %mul3A_43 = arith.muli %scan3A_41, %mul3A_42 : i32
      %add3A_44 = arith.constant 0 : i32
      %add3A_45 = arith.addi %add3A_44, %mul3A_43 : i32
      %mul3A_46 = arith.constant 2 : i32
      %mul3A_47 = arith.muli %mul3A_46, %add3A_45 : i32
      %add3A_48 = arith.constant 0 : i32
      %add3A_49 = arith.addi %mul3A_47, %add3A_48 : i32
      %mul3A_50 = arith.constant 32 : i32
      %mul3A_51 = arith.muli %mul3A_50, %add3A_49 : i32
      %add3A_52 = arith.addi %add3A, %mul3A_51 : i32
      %lt3A = arith.constant 2500 : i32
      %lt3A_53 = arith.cmpi slt, %add3A_52, %lt3A : i32
      %convert_element_type3A_54 = arith.extui %lt3A_53 : i1 to i32
      %cond3A_55 = arith.constant 0 : i32
      %cond3A_56 = arith.cmpi ne, %convert_element_type3A_54, %cond3A_55 : i32
      scf.if %cond3A_56 {
        %mul3A_69 = arith.constant 32 : i32
        %mul3A_70 = arith.muli %mul3A_69, %add3A_49 : i32
        %add3A_71 = arith.addi %add3A, %mul3A_70 : i32
        %mul3A_72 = arith.constant 128 : i32
        %mul3A_73 = arith.muli %add3A_71, %mul3A_72 : i32
        %dma_wait3A_74 = tpu.memref_slice %arg3[%mul3A_73] : memref<320000xi32, #tpu.memory_space<hbm>> -> memref<128xi32, #tpu.memory_space<hbm>>
        %dma_wait3A_75 = tpu.memref_slice %arg3[%mul3A_73] : memref<320000xi32, #tpu.memory_space<hbm>> -> memref<128xi32, #tpu.memory_space<hbm>>
        tpu.wait_dma2 semaphore(%arg16 : memref<!tpu.dma_semaphore, #tpu.memory_space<semaphore_mem>>) src(%dma_wait3A_75 : memref<128xi32, #tpu.memory_space<hbm>>) dst(%arg7 : memref<128xi32, #tpu.memory_space<vmem>>)
        %jit3A = arith.constant 4 : i32
        %eq3A_76 = arith.constant 0 : i32
        %eq3A_77 = arith.cmpi eq, %jit3A, %eq3A_76 : i32
        %jit3A_78 = arith.constant 1 : i32
        %select_n3A = arith.select %eq3A_77, %jit3A_78, %jit3A : i32
        %rem3A = arith.remsi %add3A_49, %select_n3A : i32
        %ne3A = arith.constant 0 : i32
        %ne3A_79 = arith.cmpi ne, %rem3A, %ne3A : i32
        %lt3A_80 = arith.constant 0 : i32
        %lt3A_81 = arith.cmpi slt, %rem3A, %lt3A_80 : i32
        %lt3A_82 = arith.constant 0 : i32
        %lt3A_83 = arith.cmpi slt, %select_n3A, %lt3A_82 : i32
        %ne3A_84 = arith.xori %lt3A_81, %lt3A_83 : i1
        %and3A = arith.andi %ne3A_84, %ne3A_79 : i1
        %add3A_85 = arith.addi %rem3A, %select_n3A : i32
        %select_n3A_86 = arith.select %and3A, %add3A_85, %rem3A : i32
        %eq3A_87 = arith.constant 0 : i32
        %eq3A_88 = arith.cmpi eq, %select_n3A_86, %eq3A_87 : i32
        %convert_element_type3A_89 = arith.extui %eq3A_88 : i1 to i32
        %cond3A_90 = arith.constant 0 : i32
        %cond3A_91 = arith.cmpi ne, %convert_element_type3A_89, %cond3A_90 : i32
        scf.if %cond3A_91 {
          %dma_wait3A_155 = tpu.memref_slice %arg4[%mul3A_73] : memref<320000xi32, #tpu.memory_space<hbm>> -> memref<128xi32, #tpu.memory_space<hbm>>
          %dma_wait3A_156 = tpu.memref_slice %arg4[%mul3A_73] : memref<320000xi32, #tpu.memory_space<hbm>> -> memref<128xi32, #tpu.memory_space<hbm>>
          tpu.wait_dma2 semaphore(%arg16 : memref<!tpu.dma_semaphore, #tpu.memory_space<semaphore_mem>>) src(%dma_wait3A_156 : memref<128xi32, #tpu.memory_space<hbm>>) dst(%arg9 : memref<128xi32, #tpu.memory_space<vmem>>)
          %ge3A = arith.constant 2 : i32
          %ge3A_157 = arith.cmpi sge, %add3A_49, %ge3A : i32
          %convert_element_type3A_158 = arith.extui %ge3A_157 : i1 to i32
          %cond3A_159 = arith.constant 0 : i32
          %cond3A_160 = arith.cmpi ne, %convert_element_type3A_158, %cond3A_159 : i32
          scf.if %cond3A_160 {
            %dma_wait3A_185 = arith.constant 0 : i32
            %dma_wait3A_186 = arith.constant 0 : i32
            %dma_wait3A_187 = tpu.memref_slice %arg15[%dma_wait3A_185, %dma_wait3A_186] : memref<10000x128xf32, #tpu.memory_space<vmem_shared>> -> memref<10000x128xf32, #tpu.memory_space<vmem_shared>>
            tpu.wait_indirect_dma semaphore(%arg18 : memref<!tpu.dma_semaphore, #tpu.memory_space<semaphore_mem>>) src(%arg13 : memref<128x128xf32, #tpu.memory_space<vmem>>) dst(%dma_wait3A_187 : memref<10000x128xf32, #tpu.memory_space<vmem_shared>>)
          } else {
          }
          %add3A_161 = arith.constant 2 : i32
          %add3A_162 = arith.addi %add3A_49, %add3A_161 : i32
          %mul3A_163 = arith.constant 32 : i32
          %mul3A_164 = arith.muli %mul3A_163, %add3A_162 : i32
          %add3A_165 = arith.addi %add3A, %mul3A_164 : i32
          %lt3A_166 = arith.constant 2500 : i32
          %lt3A_167 = arith.cmpi slt, %add3A_165, %lt3A_166 : i32
          %convert_element_type3A_168 = arith.extui %lt3A_167 : i1 to i32
          %cond3A_169 = arith.constant 0 : i32
          %cond3A_170 = arith.cmpi ne, %convert_element_type3A_168, %cond3A_169 : i32
          scf.if %cond3A_170 {
            %add3A_185 = arith.constant 2 : i32
            %add3A_186 = arith.addi %add3A_49, %add3A_185 : i32
            %mul3A_187 = arith.constant 32 : i32
            %mul3A_188 = arith.muli %mul3A_187, %add3A_186 : i32
            %add3A_189 = arith.addi %add3A, %mul3A_188 : i32
            %mul3A_190 = arith.constant 128 : i32
            %mul3A_191 = arith.muli %add3A_189, %mul3A_190 : i32
            %dma_start3A_192 = tpu.memref_slice %arg4[%mul3A_191] : memref<320000xi32, #tpu.memory_space<hbm>> -> memref<128xi32, #tpu.memory_space<hbm>>
            %dma_start3A_193 = tpu.memref_slice %arg4[%mul3A_191] : memref<320000xi32, #tpu.memory_space<hbm>> -> memref<128xi32, #tpu.memory_space<hbm>>
            tpu.enqueue_dma source(%dma_start3A_193 : memref<128xi32, #tpu.memory_space<hbm>>) target(%arg11 : memref<128xi32, #tpu.memory_space<vmem>>) target_semaphore(%arg16 : memref<!tpu.dma_semaphore, #tpu.memory_space<semaphore_mem>>)
          } else {
          }
          %dma_start3A_171 = arith.constant 0 : i32
          %dma_start3A_172 = arith.constant 0 : i32
          %dma_start3A_173 = tpu.memref_slice %arg2[%dma_start3A_171, %dma_start3A_172] : memref<10000x128xf32, #tpu.memory_space<hbm>> -> memref<10000x128xf32, #tpu.memory_space<hbm>>
          tpu.enqueue_indirect_dma source(%dma_start3A_173 : memref<10000x128xf32, #tpu.memory_space<hbm>>) target(%arg13 : memref<128x128xf32, #tpu.memory_space<vmem>>) offsets(%arg7 : memref<128xi32, #tpu.memory_space<vmem>>) semaphore(%arg17 : memref<!tpu.dma_semaphore, #tpu.memory_space<semaphore_mem>>)
          %dma_wait3A_174 = arith.constant 0 : i32
          %dma_wait3A_175 = arith.constant 0 : i32
          %dma_wait3A_176 = tpu.memref_slice %arg2[%dma_wait3A_174, %dma_wait3A_175] : memref<10000x128xf32, #tpu.memory_space<hbm>> -> memref<10000x128xf32, #tpu.memory_space<hbm>>
          tpu.wait_indirect_dma semaphore(%arg17 : memref<!tpu.dma_semaphore, #tpu.memory_space<semaphore_mem>>) src(%dma_wait3A_176 : memref<10000x128xf32, #tpu.memory_space<hbm>>) dst(%arg13 : memref<128x128xf32, #tpu.memory_space<vmem>>)
          %lt3A_177 = arith.constant 2500 : i32
          %lt3A_178 = arith.cmpi slt, %add3A_165, %lt3A_177 : i32
          %convert_element_type3A_179 = arith.extui %lt3A_178 : i1 to i32
          %cond3A_180 = arith.constant 0 : i32
          %cond3A_181 = arith.cmpi ne, %convert_element_type3A_179, %cond3A_180 : i32
          scf.if %cond3A_181 {
            %add3A_185 = arith.constant 2 : i32
            %add3A_186 = arith.addi %add3A_49, %add3A_185 : i32
            %mul3A_187 = arith.constant 32 : i32
            %mul3A_188 = arith.muli %mul3A_187, %add3A_186 : i32
            %add3A_189 = arith.addi %add3A, %mul3A_188 : i32
            %mul3A_190 = arith.constant 128 : i32
            %mul3A_191 = arith.muli %add3A_189, %mul3A_190 : i32
            %dma_start3A_192 = tpu.memref_slice %arg3[%mul3A_191] : memref<320000xi32, #tpu.memory_space<hbm>> -> memref<128xi32, #tpu.memory_space<hbm>>
            %dma_start3A_193 = tpu.memref_slice %arg3[%mul3A_191] : memref<320000xi32, #tpu.memory_space<hbm>> -> memref<128xi32, #tpu.memory_space<hbm>>
            tpu.enqueue_dma source(%dma_start3A_193 : memref<128xi32, #tpu.memory_space<hbm>>) target(%arg7 : memref<128xi32, #tpu.memory_space<vmem>>) target_semaphore(%arg16 : memref<!tpu.dma_semaphore, #tpu.memory_space<semaphore_mem>>)
          } else {
          }
          %dma_start3A_182 = arith.constant 0 : i32
          %dma_start3A_183 = arith.constant 0 : i32
          %dma_start3A_184 = tpu.memref_slice %arg15[%dma_start3A_182, %dma_start3A_183] : memref<10000x128xf32, #tpu.memory_space<vmem_shared>> -> memref<10000x128xf32, #tpu.memory_space<vmem_shared>>
          tpu.enqueue_indirect_dma source(%arg13 : memref<128x128xf32, #tpu.memory_space<vmem>>) target(%dma_start3A_184 : memref<10000x128xf32, #tpu.memory_space<vmem_shared>>) offsets(%arg9 : memref<128xi32, #tpu.memory_space<vmem>>) semaphore(%arg18 : memref<!tpu.dma_semaphore, #tpu.memory_space<semaphore_mem>>) {add = true}
        } else {
        }
        %jit3A_92 = arith.constant 4 : i32
        %eq3A_93 = arith.constant 0 : i32
        %eq3A_94 = arith.cmpi eq, %jit3A_92, %eq3A_93 : i32
        %jit3A_95 = arith.constant 1 : i32
        %select_n3A_96 = arith.select %eq3A_94, %jit3A_95, %jit3A_92 : i32
        %rem3A_97 = arith.remsi %add3A_49, %select_n3A_96 : i32
        %ne3A_98 = arith.constant 0 : i32
        %ne3A_99 = arith.cmpi ne, %rem3A_97, %ne3A_98 : i32
        %lt3A_100 = arith.constant 0 : i32
        %lt3A_101 = arith.cmpi slt, %rem3A_97, %lt3A_100 : i32
        %lt3A_102 = arith.constant 0 : i32
        %lt3A_103 = arith.cmpi slt, %select_n3A_96, %lt3A_102 : i32
        %ne3A_104 = arith.xori %lt3A_101, %lt3A_103 : i1
        %and3A_105 = arith.andi %ne3A_104, %ne3A_99 : i1
        %add3A_106 = arith.addi %rem3A_97, %select_n3A_96 : i32
        %select_n3A_107 = arith.select %and3A_105, %add3A_106, %rem3A_97 : i32
        %eq3A_108 = arith.constant 1 : i32
        %eq3A_109 = arith.cmpi eq, %select_n3A_107, %eq3A_108 : i32
        %convert_element_type3A_110 = arith.extui %eq3A_109 : i1 to i32
        %cond3A_111 = arith.constant 0 : i32
        %cond3A_112 = arith.cmpi ne, %convert_element_type3A_110, %cond3A_111 : i32
        scf.if %cond3A_112 {
          %dma_wait3A_155 = tpu.memref_slice %arg4[%mul3A_73] : memref<320000xi32, #tpu.memory_space<hbm>> -> memref<128xi32, #tpu.memory_space<hbm>>
          %dma_wait3A_156 = tpu.memref_slice %arg4[%mul3A_73] : memref<320000xi32, #tpu.memory_space<hbm>> -> memref<128xi32, #tpu.memory_space<hbm>>
          tpu.wait_dma2 semaphore(%arg16 : memref<!tpu.dma_semaphore, #tpu.memory_space<semaphore_mem>>) src(%dma_wait3A_156 : memref<128xi32, #tpu.memory_space<hbm>>) dst(%arg10 : memref<128xi32, #tpu.memory_space<vmem>>)
          %ge3A = arith.constant 2 : i32
          %ge3A_157 = arith.cmpi sge, %add3A_49, %ge3A : i32
          %convert_element_type3A_158 = arith.extui %ge3A_157 : i1 to i32
          %cond3A_159 = arith.constant 0 : i32
          %cond3A_160 = arith.cmpi ne, %convert_element_type3A_158, %cond3A_159 : i32
          scf.if %cond3A_160 {
            %dma_wait3A_185 = arith.constant 0 : i32
            %dma_wait3A_186 = arith.constant 0 : i32
            %dma_wait3A_187 = tpu.memref_slice %arg15[%dma_wait3A_185, %dma_wait3A_186] : memref<10000x128xf32, #tpu.memory_space<vmem_shared>> -> memref<10000x128xf32, #tpu.memory_space<vmem_shared>>
            tpu.wait_indirect_dma semaphore(%arg18 : memref<!tpu.dma_semaphore, #tpu.memory_space<semaphore_mem>>) src(%arg13 : memref<128x128xf32, #tpu.memory_space<vmem>>) dst(%dma_wait3A_187 : memref<10000x128xf32, #tpu.memory_space<vmem_shared>>)
          } else {
          }
          %add3A_161 = arith.constant 2 : i32
          %add3A_162 = arith.addi %add3A_49, %add3A_161 : i32
          %mul3A_163 = arith.constant 32 : i32
          %mul3A_164 = arith.muli %mul3A_163, %add3A_162 : i32
          %add3A_165 = arith.addi %add3A, %mul3A_164 : i32
          %lt3A_166 = arith.constant 2500 : i32
          %lt3A_167 = arith.cmpi slt, %add3A_165, %lt3A_166 : i32
          %convert_element_type3A_168 = arith.extui %lt3A_167 : i1 to i32
          %cond3A_169 = arith.constant 0 : i32
          %cond3A_170 = arith.cmpi ne, %convert_element_type3A_168, %cond3A_169 : i32
          scf.if %cond3A_170 {
            %add3A_185 = arith.constant 2 : i32
            %add3A_186 = arith.addi %add3A_49, %add3A_185 : i32
            %mul3A_187 = arith.constant 32 : i32
            %mul3A_188 = arith.muli %mul3A_187, %add3A_186 : i32
            %add3A_189 = arith.addi %add3A, %mul3A_188 : i32
            %mul3A_190 = arith.constant 128 : i32
            %mul3A_191 = arith.muli %add3A_189, %mul3A_190 : i32
            %dma_start3A_192 = tpu.memref_slice %arg4[%mul3A_191] : memref<320000xi32, #tpu.memory_space<hbm>> -> memref<128xi32, #tpu.memory_space<hbm>>
            %dma_start3A_193 = tpu.memref_slice %arg4[%mul3A_191] : memref<320000xi32, #tpu.memory_space<hbm>> -> memref<128xi32, #tpu.memory_space<hbm>>
            tpu.enqueue_dma source(%dma_start3A_193 : memref<128xi32, #tpu.memory_space<hbm>>) target(%arg12 : memref<128xi32, #tpu.memory_space<vmem>>) target_semaphore(%arg16 : memref<!tpu.dma_semaphore, #tpu.memory_space<semaphore_mem>>)
          } else {
          }
          %dma_start3A_171 = arith.constant 0 : i32
          %dma_start3A_172 = arith.constant 0 : i32
          %dma_start3A_173 = tpu.memref_slice %arg2[%dma_start3A_171, %dma_start3A_172] : memref<10000x128xf32, #tpu.memory_space<hbm>> -> memref<10000x128xf32, #tpu.memory_space<hbm>>
          tpu.enqueue_indirect_dma source(%dma_start3A_173 : memref<10000x128xf32, #tpu.memory_space<hbm>>) target(%arg13 : memref<128x128xf32, #tpu.memory_space<vmem>>) offsets(%arg7 : memref<128xi32, #tpu.memory_space<vmem>>) semaphore(%arg17 : memref<!tpu.dma_semaphore, #tpu.memory_space<semaphore_mem>>)
          %dma_wait3A_174 = arith.constant 0 : i32
          %dma_wait3A_175 = arith.constant 0 : i32
          %dma_wait3A_176 = tpu.memref_slice %arg2[%dma_wait3A_174, %dma_wait3A_175] : memref<10000x128xf32, #tpu.memory_space<hbm>> -> memref<10000x128xf32, #tpu.memory_space<hbm>>
          tpu.wait_indirect_dma semaphore(%arg17 : memref<!tpu.dma_semaphore, #tpu.memory_space<semaphore_mem>>) src(%dma_wait3A_176 : memref<10000x128xf32, #tpu.memory_space<hbm>>) dst(%arg13 : memref<128x128xf32, #tpu.memory_space<vmem>>)
          %lt3A_177 = arith.constant 2500 : i32
          %lt3A_178 = arith.cmpi slt, %add3A_165, %lt3A_177 : i32
          %convert_element_type3A_179 = arith.extui %lt3A_178 : i1 to i32
          %cond3A_180 = arith.constant 0 : i32
          %cond3A_181 = arith.cmpi ne, %convert_element_type3A_179, %cond3A_180 : i32
          scf.if %cond3A_181 {
            %add3A_185 = arith.constant 2 : i32
            %add3A_186 = arith.addi %add3A_49, %add3A_185 : i32
            %mul3A_187 = arith.constant 32 : i32
            %mul3A_188 = arith.muli %mul3A_187, %add3A_186 : i32
            %add3A_189 = arith.addi %add3A, %mul3A_188 : i32
            %mul3A_190 = arith.constant 128 : i32
            %mul3A_191 = arith.muli %add3A_189, %mul3A_190 : i32
            %dma_start3A_192 = tpu.memref_slice %arg3[%mul3A_191] : memref<320000xi32, #tpu.memory_space<hbm>> -> memref<128xi32, #tpu.memory_space<hbm>>
            %dma_start3A_193 = tpu.memref_slice %arg3[%mul3A_191] : memref<320000xi32, #tpu.memory_space<hbm>> -> memref<128xi32, #tpu.memory_space<hbm>>
            tpu.enqueue_dma source(%dma_start3A_193 : memref<128xi32, #tpu.memory_space<hbm>>) target(%arg7 : memref<128xi32, #tpu.memory_space<vmem>>) target_semaphore(%arg16 : memref<!tpu.dma_semaphore, #tpu.memory_space<semaphore_mem>>)
          } else {
          }
          %dma_start3A_182 = arith.constant 0 : i32
          %dma_start3A_183 = arith.constant 0 : i32
          %dma_start3A_184 = tpu.memref_slice %arg15[%dma_start3A_182, %dma_start3A_183] : memref<10000x128xf32, #tpu.memory_space<vmem_shared>> -> memref<10000x128xf32, #tpu.memory_space<vmem_shared>>
          tpu.enqueue_indirect_dma source(%arg13 : memref<128x128xf32, #tpu.memory_space<vmem>>) target(%dma_start3A_184 : memref<10000x128xf32, #tpu.memory_space<vmem_shared>>) offsets(%arg10 : memref<128xi32, #tpu.memory_space<vmem>>) semaphore(%arg18 : memref<!tpu.dma_semaphore, #tpu.memory_space<semaphore_mem>>) {add = true}
        } else {
        }
        %jit3A_113 = arith.constant 4 : i32
        %eq3A_114 = arith.constant 0 : i32
        %eq3A_115 = arith.cmpi eq, %jit3A_113, %eq3A_114 : i32
        %jit3A_116 = arith.constant 1 : i32
        %select_n3A_117 = arith.select %eq3A_115, %jit3A_116, %jit3A_113 : i32
        %rem3A_118 = arith.remsi %add3A_49, %select_n3A_117 : i32
        %ne3A_119 = arith.constant 0 : i32
        %ne3A_120 = arith.cmpi ne, %rem3A_118, %ne3A_119 : i32
        %lt3A_121 = arith.constant 0 : i32
        %lt3A_122 = arith.cmpi slt, %rem3A_118, %lt3A_121 : i32
        %lt3A_123 = arith.constant 0 : i32
        %lt3A_124 = arith.cmpi slt, %select_n3A_117, %lt3A_123 : i32
        %ne3A_125 = arith.xori %lt3A_122, %lt3A_124 : i1
        %and3A_126 = arith.andi %ne3A_125, %ne3A_120 : i1
        %add3A_127 = arith.addi %rem3A_118, %select_n3A_117 : i32
        %select_n3A_128 = arith.select %and3A_126, %add3A_127, %rem3A_118 : i32
        %eq3A_129 = arith.constant 2 : i32
        %eq3A_130 = arith.cmpi eq, %select_n3A_128, %eq3A_129 : i32
        %convert_element_type3A_131 = arith.extui %eq3A_130 : i1 to i32
        %cond3A_132 = arith.constant 0 : i32
        %cond3A_133 = arith.cmpi ne, %convert_element_type3A_131, %cond3A_132 : i32
        scf.if %cond3A_133 {
          %dma_wait3A_155 = tpu.memref_slice %arg4[%mul3A_73] : memref<320000xi32, #tpu.memory_space<hbm>> -> memref<128xi32, #tpu.memory_space<hbm>>
          %dma_wait3A_156 = tpu.memref_slice %arg4[%mul3A_73] : memref<320000xi32, #tpu.memory_space<hbm>> -> memref<128xi32, #tpu.memory_space<hbm>>
          tpu.wait_dma2 semaphore(%arg16 : memref<!tpu.dma_semaphore, #tpu.memory_space<semaphore_mem>>) src(%dma_wait3A_156 : memref<128xi32, #tpu.memory_space<hbm>>) dst(%arg11 : memref<128xi32, #tpu.memory_space<vmem>>)
          %ge3A = arith.constant 2 : i32
          %ge3A_157 = arith.cmpi sge, %add3A_49, %ge3A : i32
          %convert_element_type3A_158 = arith.extui %ge3A_157 : i1 to i32
          %cond3A_159 = arith.constant 0 : i32
          %cond3A_160 = arith.cmpi ne, %convert_element_type3A_158, %cond3A_159 : i32
          scf.if %cond3A_160 {
            %dma_wait3A_185 = arith.constant 0 : i32
            %dma_wait3A_186 = arith.constant 0 : i32
            %dma_wait3A_187 = tpu.memref_slice %arg15[%dma_wait3A_185, %dma_wait3A_186] : memref<10000x128xf32, #tpu.memory_space<vmem_shared>> -> memref<10000x128xf32, #tpu.memory_space<vmem_shared>>
            tpu.wait_indirect_dma semaphore(%arg18 : memref<!tpu.dma_semaphore, #tpu.memory_space<semaphore_mem>>) src(%arg13 : memref<128x128xf32, #tpu.memory_space<vmem>>) dst(%dma_wait3A_187 : memref<10000x128xf32, #tpu.memory_space<vmem_shared>>)
          } else {
          }
          %add3A_161 = arith.constant 2 : i32
          %add3A_162 = arith.addi %add3A_49, %add3A_161 : i32
          %mul3A_163 = arith.constant 32 : i32
          %mul3A_164 = arith.muli %mul3A_163, %add3A_162 : i32
          %add3A_165 = arith.addi %add3A, %mul3A_164 : i32
          %lt3A_166 = arith.constant 2500 : i32
          %lt3A_167 = arith.cmpi slt, %add3A_165, %lt3A_166 : i32
          %convert_element_type3A_168 = arith.extui %lt3A_167 : i1 to i32
          %cond3A_169 = arith.constant 0 : i32
          %cond3A_170 = arith.cmpi ne, %convert_element_type3A_168, %cond3A_169 : i32
          scf.if %cond3A_170 {
            %add3A_185 = arith.constant 2 : i32
            %add3A_186 = arith.addi %add3A_49, %add3A_185 : i32
            %mul3A_187 = arith.constant 32 : i32
            %mul3A_188 = arith.muli %mul3A_187, %add3A_186 : i32
            %add3A_189 = arith.addi %add3A, %mul3A_188 : i32
            %mul3A_190 = arith.constant 128 : i32
            %mul3A_191 = arith.muli %add3A_189, %mul3A_190 : i32
            %dma_start3A_192 = tpu.memref_slice %arg4[%mul3A_191] : memref<320000xi32, #tpu.memory_space<hbm>> -> memref<128xi32, #tpu.memory_space<hbm>>
            %dma_start3A_193 = tpu.memref_slice %arg4[%mul3A_191] : memref<320000xi32, #tpu.memory_space<hbm>> -> memref<128xi32, #tpu.memory_space<hbm>>
            tpu.enqueue_dma source(%dma_start3A_193 : memref<128xi32, #tpu.memory_space<hbm>>) target(%arg9 : memref<128xi32, #tpu.memory_space<vmem>>) target_semaphore(%arg16 : memref<!tpu.dma_semaphore, #tpu.memory_space<semaphore_mem>>)
          } else {
          }
          %dma_start3A_171 = arith.constant 0 : i32
          %dma_start3A_172 = arith.constant 0 : i32
          %dma_start3A_173 = tpu.memref_slice %arg2[%dma_start3A_171, %dma_start3A_172] : memref<10000x128xf32, #tpu.memory_space<hbm>> -> memref<10000x128xf32, #tpu.memory_space<hbm>>
          tpu.enqueue_indirect_dma source(%dma_start3A_173 : memref<10000x128xf32, #tpu.memory_space<hbm>>) target(%arg13 : memref<128x128xf32, #tpu.memory_space<vmem>>) offsets(%arg7 : memref<128xi32, #tpu.memory_space<vmem>>) semaphore(%arg17 : memref<!tpu.dma_semaphore, #tpu.memory_space<semaphore_mem>>)
          %dma_wait3A_174 = arith.constant 0 : i32
          %dma_wait3A_175 = arith.constant 0 : i32
          %dma_wait3A_176 = tpu.memref_slice %arg2[%dma_wait3A_174, %dma_wait3A_175] : memref<10000x128xf32, #tpu.memory_space<hbm>> -> memref<10000x128xf32, #tpu.memory_space<hbm>>
          tpu.wait_indirect_dma semaphore(%arg17 : memref<!tpu.dma_semaphore, #tpu.memory_space<semaphore_mem>>) src(%dma_wait3A_176 : memref<10000x128xf32, #tpu.memory_space<hbm>>) dst(%arg13 : memref<128x128xf32, #tpu.memory_space<vmem>>)
          %lt3A_177 = arith.constant 2500 : i32
          %lt3A_178 = arith.cmpi slt, %add3A_165, %lt3A_177 : i32
          %convert_element_type3A_179 = arith.extui %lt3A_178 : i1 to i32
          %cond3A_180 = arith.constant 0 : i32
          %cond3A_181 = arith.cmpi ne, %convert_element_type3A_179, %cond3A_180 : i32
          scf.if %cond3A_181 {
            %add3A_185 = arith.constant 2 : i32
            %add3A_186 = arith.addi %add3A_49, %add3A_185 : i32
            %mul3A_187 = arith.constant 32 : i32
            %mul3A_188 = arith.muli %mul3A_187, %add3A_186 : i32
            %add3A_189 = arith.addi %add3A, %mul3A_188 : i32
            %mul3A_190 = arith.constant 128 : i32
            %mul3A_191 = arith.muli %add3A_189, %mul3A_190 : i32
            %dma_start3A_192 = tpu.memref_slice %arg3[%mul3A_191] : memref<320000xi32, #tpu.memory_space<hbm>> -> memref<128xi32, #tpu.memory_space<hbm>>
            %dma_start3A_193 = tpu.memref_slice %arg3[%mul3A_191] : memref<320000xi32, #tpu.memory_space<hbm>> -> memref<128xi32, #tpu.memory_space<hbm>>
            tpu.enqueue_dma source(%dma_start3A_193 : memref<128xi32, #tpu.memory_space<hbm>>) target(%arg7 : memref<128xi32, #tpu.memory_space<vmem>>) target_semaphore(%arg16 : memref<!tpu.dma_semaphore, #tpu.memory_space<semaphore_mem>>)
          } else {
          }
          %dma_start3A_182 = arith.constant 0 : i32
          %dma_start3A_183 = arith.constant 0 : i32
          %dma_start3A_184 = tpu.memref_slice %arg15[%dma_start3A_182, %dma_start3A_183] : memref<10000x128xf32, #tpu.memory_space<vmem_shared>> -> memref<10000x128xf32, #tpu.memory_space<vmem_shared>>
          tpu.enqueue_indirect_dma source(%arg13 : memref<128x128xf32, #tpu.memory_space<vmem>>) target(%dma_start3A_184 : memref<10000x128xf32, #tpu.memory_space<vmem_shared>>) offsets(%arg11 : memref<128xi32, #tpu.memory_space<vmem>>) semaphore(%arg18 : memref<!tpu.dma_semaphore, #tpu.memory_space<semaphore_mem>>) {add = true}
        } else {
        }
        %jit3A_134 = arith.constant 4 : i32
        %eq3A_135 = arith.constant 0 : i32
        %eq3A_136 = arith.cmpi eq, %jit3A_134, %eq3A_135 : i32
        %jit3A_137 = arith.constant 1 : i32
        %select_n3A_138 = arith.select %eq3A_136, %jit3A_137, %jit3A_134 : i32
        %rem3A_139 = arith.remsi %add3A_49, %select_n3A_138 : i32
        %ne3A_140 = arith.constant 0 : i32
        %ne3A_141 = arith.cmpi ne, %rem3A_139, %ne3A_140 : i32
        %lt3A_142 = arith.constant 0 : i32
        %lt3A_143 = arith.cmpi slt, %rem3A_139, %lt3A_142 : i32
        %lt3A_144 = arith.constant 0 : i32
        %lt3A_145 = arith.cmpi slt, %select_n3A_138, %lt3A_144 : i32
        %ne3A_146 = arith.xori %lt3A_143, %lt3A_145 : i1
        %and3A_147 = arith.andi %ne3A_146, %ne3A_141 : i1
        %add3A_148 = arith.addi %rem3A_139, %select_n3A_138 : i32
        %select_n3A_149 = arith.select %and3A_147, %add3A_148, %rem3A_139 : i32
        %eq3A_150 = arith.constant 3 : i32
        %eq3A_151 = arith.cmpi eq, %select_n3A_149, %eq3A_150 : i32
        %convert_element_type3A_152 = arith.extui %eq3A_151 : i1 to i32
        %cond3A_153 = arith.constant 0 : i32
        %cond3A_154 = arith.cmpi ne, %convert_element_type3A_152, %cond3A_153 : i32
        scf.if %cond3A_154 {
          %dma_wait3A_155 = tpu.memref_slice %arg4[%mul3A_73] : memref<320000xi32, #tpu.memory_space<hbm>> -> memref<128xi32, #tpu.memory_space<hbm>>
          %dma_wait3A_156 = tpu.memref_slice %arg4[%mul3A_73] : memref<320000xi32, #tpu.memory_space<hbm>> -> memref<128xi32, #tpu.memory_space<hbm>>
          tpu.wait_dma2 semaphore(%arg16 : memref<!tpu.dma_semaphore, #tpu.memory_space<semaphore_mem>>) src(%dma_wait3A_156 : memref<128xi32, #tpu.memory_space<hbm>>) dst(%arg12 : memref<128xi32, #tpu.memory_space<vmem>>)
          %ge3A = arith.constant 2 : i32
          %ge3A_157 = arith.cmpi sge, %add3A_49, %ge3A : i32
          %convert_element_type3A_158 = arith.extui %ge3A_157 : i1 to i32
          %cond3A_159 = arith.constant 0 : i32
          %cond3A_160 = arith.cmpi ne, %convert_element_type3A_158, %cond3A_159 : i32
          scf.if %cond3A_160 {
            %dma_wait3A_185 = arith.constant 0 : i32
            %dma_wait3A_186 = arith.constant 0 : i32
            %dma_wait3A_187 = tpu.memref_slice %arg15[%dma_wait3A_185, %dma_wait3A_186] : memref<10000x128xf32, #tpu.memory_space<vmem_shared>> -> memref<10000x128xf32, #tpu.memory_space<vmem_shared>>
            tpu.wait_indirect_dma semaphore(%arg18 : memref<!tpu.dma_semaphore, #tpu.memory_space<semaphore_mem>>) src(%arg13 : memref<128x128xf32, #tpu.memory_space<vmem>>) dst(%dma_wait3A_187 : memref<10000x128xf32, #tpu.memory_space<vmem_shared>>)
          } else {
          }
          %add3A_161 = arith.constant 2 : i32
          %add3A_162 = arith.addi %add3A_49, %add3A_161 : i32
          %mul3A_163 = arith.constant 32 : i32
          %mul3A_164 = arith.muli %mul3A_163, %add3A_162 : i32
          %add3A_165 = arith.addi %add3A, %mul3A_164 : i32
          %lt3A_166 = arith.constant 2500 : i32
          %lt3A_167 = arith.cmpi slt, %add3A_165, %lt3A_166 : i32
          %convert_element_type3A_168 = arith.extui %lt3A_167 : i1 to i32
          %cond3A_169 = arith.constant 0 : i32
          %cond3A_170 = arith.cmpi ne, %convert_element_type3A_168, %cond3A_169 : i32
          scf.if %cond3A_170 {
            %add3A_185 = arith.constant 2 : i32
            %add3A_186 = arith.addi %add3A_49, %add3A_185 : i32
            %mul3A_187 = arith.constant 32 : i32
            %mul3A_188 = arith.muli %mul3A_187, %add3A_186 : i32
            %add3A_189 = arith.addi %add3A, %mul3A_188 : i32
            %mul3A_190 = arith.constant 128 : i32
            %mul3A_191 = arith.muli %add3A_189, %mul3A_190 : i32
            %dma_start3A_192 = tpu.memref_slice %arg4[%mul3A_191] : memref<320000xi32, #tpu.memory_space<hbm>> -> memref<128xi32, #tpu.memory_space<hbm>>
            %dma_start3A_193 = tpu.memref_slice %arg4[%mul3A_191] : memref<320000xi32, #tpu.memory_space<hbm>> -> memref<128xi32, #tpu.memory_space<hbm>>
            tpu.enqueue_dma source(%dma_start3A_193 : memref<128xi32, #tpu.memory_space<hbm>>) target(%arg10 : memref<128xi32, #tpu.memory_space<vmem>>) target_semaphore(%arg16 : memref<!tpu.dma_semaphore, #tpu.memory_space<semaphore_mem>>)
          } else {
          }
          %dma_start3A_171 = arith.constant 0 : i32
          %dma_start3A_172 = arith.constant 0 : i32
          %dma_start3A_173 = tpu.memref_slice %arg2[%dma_start3A_171, %dma_start3A_172] : memref<10000x128xf32, #tpu.memory_space<hbm>> -> memref<10000x128xf32, #tpu.memory_space<hbm>>
          tpu.enqueue_indirect_dma source(%dma_start3A_173 : memref<10000x128xf32, #tpu.memory_space<hbm>>) target(%arg13 : memref<128x128xf32, #tpu.memory_space<vmem>>) offsets(%arg7 : memref<128xi32, #tpu.memory_space<vmem>>) semaphore(%arg17 : memref<!tpu.dma_semaphore, #tpu.memory_space<semaphore_mem>>)
          %dma_wait3A_174 = arith.constant 0 : i32
          %dma_wait3A_175 = arith.constant 0 : i32
          %dma_wait3A_176 = tpu.memref_slice %arg2[%dma_wait3A_174, %dma_wait3A_175] : memref<10000x128xf32, #tpu.memory_space<hbm>> -> memref<10000x128xf32, #tpu.memory_space<hbm>>
          tpu.wait_indirect_dma semaphore(%arg17 : memref<!tpu.dma_semaphore, #tpu.memory_space<semaphore_mem>>) src(%dma_wait3A_176 : memref<10000x128xf32, #tpu.memory_space<hbm>>) dst(%arg13 : memref<128x128xf32, #tpu.memory_space<vmem>>)
          %lt3A_177 = arith.constant 2500 : i32
          %lt3A_178 = arith.cmpi slt, %add3A_165, %lt3A_177 : i32
          %convert_element_type3A_179 = arith.extui %lt3A_178 : i1 to i32
          %cond3A_180 = arith.constant 0 : i32
          %cond3A_181 = arith.cmpi ne, %convert_element_type3A_179, %cond3A_180 : i32
          scf.if %cond3A_181 {
            %add3A_185 = arith.constant 2 : i32
            %add3A_186 = arith.addi %add3A_49, %add3A_185 : i32
            %mul3A_187 = arith.constant 32 : i32
            %mul3A_188 = arith.muli %mul3A_187, %add3A_186 : i32
            %add3A_189 = arith.addi %add3A, %mul3A_188 : i32
            %mul3A_190 = arith.constant 128 : i32
            %mul3A_191 = arith.muli %add3A_189, %mul3A_190 : i32
            %dma_start3A_192 = tpu.memref_slice %arg3[%mul3A_191] : memref<320000xi32, #tpu.memory_space<hbm>> -> memref<128xi32, #tpu.memory_space<hbm>>
            %dma_start3A_193 = tpu.memref_slice %arg3[%mul3A_191] : memref<320000xi32, #tpu.memory_space<hbm>> -> memref<128xi32, #tpu.memory_space<hbm>>
            tpu.enqueue_dma source(%dma_start3A_193 : memref<128xi32, #tpu.memory_space<hbm>>) target(%arg7 : memref<128xi32, #tpu.memory_space<vmem>>) target_semaphore(%arg16 : memref<!tpu.dma_semaphore, #tpu.memory_space<semaphore_mem>>)
          } else {
          }
          %dma_start3A_182 = arith.constant 0 : i32
          %dma_start3A_183 = arith.constant 0 : i32
          %dma_start3A_184 = tpu.memref_slice %arg15[%dma_start3A_182, %dma_start3A_183] : memref<10000x128xf32, #tpu.memory_space<vmem_shared>> -> memref<10000x128xf32, #tpu.memory_space<vmem_shared>>
          tpu.enqueue_indirect_dma source(%arg13 : memref<128x128xf32, #tpu.memory_space<vmem>>) target(%dma_start3A_184 : memref<10000x128xf32, #tpu.memory_space<vmem_shared>>) offsets(%arg12 : memref<128xi32, #tpu.memory_space<vmem>>) semaphore(%arg18 : memref<!tpu.dma_semaphore, #tpu.memory_space<semaphore_mem>>) {add = true}
        } else {
        }
      } else {
      }
      %mul3A_57 = arith.constant 2 : i32
      %mul3A_58 = arith.muli %mul3A_57, %add3A_45 : i32
      %add3A_59 = arith.constant 1 : i32
      %add3A_60 = arith.addi %mul3A_58, %add3A_59 : i32
      %mul3A_61 = arith.constant 32 : i32
      %mul3A_62 = arith.muli %mul3A_61, %add3A_60 : i32
      %add3A_63 = arith.addi %add3A, %mul3A_62 : i32
      %lt3A_64 = arith.constant 2500 : i32
      %lt3A_65 = arith.cmpi slt, %add3A_63, %lt3A_64 : i32
      %convert_element_type3A_66 = arith.extui %lt3A_65 : i1 to i32
      %cond3A_67 = arith.constant 0 : i32
      %cond3A_68 = arith.cmpi ne, %convert_element_type3A_66, %cond3A_67 : i32
      scf.if %cond3A_68 {
        %mul3A_69 = arith.constant 32 : i32
        %mul3A_70 = arith.muli %mul3A_69, %add3A_60 : i32
        %add3A_71 = arith.addi %add3A, %mul3A_70 : i32
        %mul3A_72 = arith.constant 128 : i32
        %mul3A_73 = arith.muli %add3A_71, %mul3A_72 : i32
        %dma_wait3A_74 = tpu.memref_slice %arg3[%mul3A_73] : memref<320000xi32, #tpu.memory_space<hbm>> -> memref<128xi32, #tpu.memory_space<hbm>>
        %dma_wait3A_75 = tpu.memref_slice %arg3[%mul3A_73] : memref<320000xi32, #tpu.memory_space<hbm>> -> memref<128xi32, #tpu.memory_space<hbm>>
        tpu.wait_dma2 semaphore(%arg19 : memref<!tpu.dma_semaphore, #tpu.memory_space<semaphore_mem>>) src(%dma_wait3A_75 : memref<128xi32, #tpu.memory_space<hbm>>) dst(%arg8 : memref<128xi32, #tpu.memory_space<vmem>>)
        %jit3A = arith.constant 4 : i32
        %eq3A_76 = arith.constant 0 : i32
        %eq3A_77 = arith.cmpi eq, %jit3A, %eq3A_76 : i32
        %jit3A_78 = arith.constant 1 : i32
        %select_n3A = arith.select %eq3A_77, %jit3A_78, %jit3A : i32
        %rem3A = arith.remsi %add3A_60, %select_n3A : i32
        %ne3A = arith.constant 0 : i32
        %ne3A_79 = arith.cmpi ne, %rem3A, %ne3A : i32
        %lt3A_80 = arith.constant 0 : i32
        %lt3A_81 = arith.cmpi slt, %rem3A, %lt3A_80 : i32
        %lt3A_82 = arith.constant 0 : i32
        %lt3A_83 = arith.cmpi slt, %select_n3A, %lt3A_82 : i32
        %ne3A_84 = arith.xori %lt3A_81, %lt3A_83 : i1
        %and3A = arith.andi %ne3A_84, %ne3A_79 : i1
        %add3A_85 = arith.addi %rem3A, %select_n3A : i32
        %select_n3A_86 = arith.select %and3A, %add3A_85, %rem3A : i32
        %eq3A_87 = arith.constant 0 : i32
        %eq3A_88 = arith.cmpi eq, %select_n3A_86, %eq3A_87 : i32
        %convert_element_type3A_89 = arith.extui %eq3A_88 : i1 to i32
        %cond3A_90 = arith.constant 0 : i32
        %cond3A_91 = arith.cmpi ne, %convert_element_type3A_89, %cond3A_90 : i32
        scf.if %cond3A_91 {
          %dma_wait3A_155 = tpu.memref_slice %arg4[%mul3A_73] : memref<320000xi32, #tpu.memory_space<hbm>> -> memref<128xi32, #tpu.memory_space<hbm>>
          %dma_wait3A_156 = tpu.memref_slice %arg4[%mul3A_73] : memref<320000xi32, #tpu.memory_space<hbm>> -> memref<128xi32, #tpu.memory_space<hbm>>
          tpu.wait_dma2 semaphore(%arg19 : memref<!tpu.dma_semaphore, #tpu.memory_space<semaphore_mem>>) src(%dma_wait3A_156 : memref<128xi32, #tpu.memory_space<hbm>>) dst(%arg9 : memref<128xi32, #tpu.memory_space<vmem>>)
          %ge3A = arith.constant 2 : i32
          %ge3A_157 = arith.cmpi sge, %add3A_60, %ge3A : i32
          %convert_element_type3A_158 = arith.extui %ge3A_157 : i1 to i32
          %cond3A_159 = arith.constant 0 : i32
          %cond3A_160 = arith.cmpi ne, %convert_element_type3A_158, %cond3A_159 : i32
          scf.if %cond3A_160 {
            %dma_wait3A_185 = arith.constant 0 : i32
            %dma_wait3A_186 = arith.constant 0 : i32
            %dma_wait3A_187 = tpu.memref_slice %arg15[%dma_wait3A_185, %dma_wait3A_186] : memref<10000x128xf32, #tpu.memory_space<vmem_shared>> -> memref<10000x128xf32, #tpu.memory_space<vmem_shared>>
            tpu.wait_indirect_dma semaphore(%arg21 : memref<!tpu.dma_semaphore, #tpu.memory_space<semaphore_mem>>) src(%arg14 : memref<128x128xf32, #tpu.memory_space<vmem>>) dst(%dma_wait3A_187 : memref<10000x128xf32, #tpu.memory_space<vmem_shared>>)
          } else {
          }
          %add3A_161 = arith.constant 2 : i32
          %add3A_162 = arith.addi %add3A_60, %add3A_161 : i32
          %mul3A_163 = arith.constant 32 : i32
          %mul3A_164 = arith.muli %mul3A_163, %add3A_162 : i32
          %add3A_165 = arith.addi %add3A, %mul3A_164 : i32
          %lt3A_166 = arith.constant 2500 : i32
          %lt3A_167 = arith.cmpi slt, %add3A_165, %lt3A_166 : i32
          %convert_element_type3A_168 = arith.extui %lt3A_167 : i1 to i32
          %cond3A_169 = arith.constant 0 : i32
          %cond3A_170 = arith.cmpi ne, %convert_element_type3A_168, %cond3A_169 : i32
          scf.if %cond3A_170 {
            %add3A_185 = arith.constant 2 : i32
            %add3A_186 = arith.addi %add3A_60, %add3A_185 : i32
            %mul3A_187 = arith.constant 32 : i32
            %mul3A_188 = arith.muli %mul3A_187, %add3A_186 : i32
            %add3A_189 = arith.addi %add3A, %mul3A_188 : i32
            %mul3A_190 = arith.constant 128 : i32
            %mul3A_191 = arith.muli %add3A_189, %mul3A_190 : i32
            %dma_start3A_192 = tpu.memref_slice %arg4[%mul3A_191] : memref<320000xi32, #tpu.memory_space<hbm>> -> memref<128xi32, #tpu.memory_space<hbm>>
            %dma_start3A_193 = tpu.memref_slice %arg4[%mul3A_191] : memref<320000xi32, #tpu.memory_space<hbm>> -> memref<128xi32, #tpu.memory_space<hbm>>
            tpu.enqueue_dma source(%dma_start3A_193 : memref<128xi32, #tpu.memory_space<hbm>>) target(%arg11 : memref<128xi32, #tpu.memory_space<vmem>>) target_semaphore(%arg19 : memref<!tpu.dma_semaphore, #tpu.memory_space<semaphore_mem>>)
          } else {
          }
          %dma_start3A_171 = arith.constant 0 : i32
          %dma_start3A_172 = arith.constant 0 : i32
          %dma_start3A_173 = tpu.memref_slice %arg2[%dma_start3A_171, %dma_start3A_172] : memref<10000x128xf32, #tpu.memory_space<hbm>> -> memref<10000x128xf32, #tpu.memory_space<hbm>>
          tpu.enqueue_indirect_dma source(%dma_start3A_173 : memref<10000x128xf32, #tpu.memory_space<hbm>>) target(%arg14 : memref<128x128xf32, #tpu.memory_space<vmem>>) offsets(%arg8 : memref<128xi32, #tpu.memory_space<vmem>>) semaphore(%arg20 : memref<!tpu.dma_semaphore, #tpu.memory_space<semaphore_mem>>)
          %dma_wait3A_174 = arith.constant 0 : i32
          %dma_wait3A_175 = arith.constant 0 : i32
          %dma_wait3A_176 = tpu.memref_slice %arg2[%dma_wait3A_174, %dma_wait3A_175] : memref<10000x128xf32, #tpu.memory_space<hbm>> -> memref<10000x128xf32, #tpu.memory_space<hbm>>
          tpu.wait_indirect_dma semaphore(%arg20 : memref<!tpu.dma_semaphore, #tpu.memory_space<semaphore_mem>>) src(%dma_wait3A_176 : memref<10000x128xf32, #tpu.memory_space<hbm>>) dst(%arg14 : memref<128x128xf32, #tpu.memory_space<vmem>>)
          %lt3A_177 = arith.constant 2500 : i32
          %lt3A_178 = arith.cmpi slt, %add3A_165, %lt3A_177 : i32
          %convert_element_type3A_179 = arith.extui %lt3A_178 : i1 to i32
          %cond3A_180 = arith.constant 0 : i32
          %cond3A_181 = arith.cmpi ne, %convert_element_type3A_179, %cond3A_180 : i32
          scf.if %cond3A_181 {
            %add3A_185 = arith.constant 2 : i32
            %add3A_186 = arith.addi %add3A_60, %add3A_185 : i32
            %mul3A_187 = arith.constant 32 : i32
            %mul3A_188 = arith.muli %mul3A_187, %add3A_186 : i32
            %add3A_189 = arith.addi %add3A, %mul3A_188 : i32
            %mul3A_190 = arith.constant 128 : i32
            %mul3A_191 = arith.muli %add3A_189, %mul3A_190 : i32
            %dma_start3A_192 = tpu.memref_slice %arg3[%mul3A_191] : memref<320000xi32, #tpu.memory_space<hbm>> -> memref<128xi32, #tpu.memory_space<hbm>>
            %dma_start3A_193 = tpu.memref_slice %arg3[%mul3A_191] : memref<320000xi32, #tpu.memory_space<hbm>> -> memref<128xi32, #tpu.memory_space<hbm>>
            tpu.enqueue_dma source(%dma_start3A_193 : memref<128xi32, #tpu.memory_space<hbm>>) target(%arg8 : memref<128xi32, #tpu.memory_space<vmem>>) target_semaphore(%arg19 : memref<!tpu.dma_semaphore, #tpu.memory_space<semaphore_mem>>)
          } else {
          }
          %dma_start3A_182 = arith.constant 0 : i32
          %dma_start3A_183 = arith.constant 0 : i32
          %dma_start3A_184 = tpu.memref_slice %arg15[%dma_start3A_182, %dma_start3A_183] : memref<10000x128xf32, #tpu.memory_space<vmem_shared>> -> memref<10000x128xf32, #tpu.memory_space<vmem_shared>>
          tpu.enqueue_indirect_dma source(%arg14 : memref<128x128xf32, #tpu.memory_space<vmem>>) target(%dma_start3A_184 : memref<10000x128xf32, #tpu.memory_space<vmem_shared>>) offsets(%arg9 : memref<128xi32, #tpu.memory_space<vmem>>) semaphore(%arg21 : memref<!tpu.dma_semaphore, #tpu.memory_space<semaphore_mem>>) {add = true}
        } else {
        }
        %jit3A_92 = arith.constant 4 : i32
        %eq3A_93 = arith.constant 0 : i32
        %eq3A_94 = arith.cmpi eq, %jit3A_92, %eq3A_93 : i32
        %jit3A_95 = arith.constant 1 : i32
        %select_n3A_96 = arith.select %eq3A_94, %jit3A_95, %jit3A_92 : i32
        %rem3A_97 = arith.remsi %add3A_60, %select_n3A_96 : i32
        %ne3A_98 = arith.constant 0 : i32
        %ne3A_99 = arith.cmpi ne, %rem3A_97, %ne3A_98 : i32
        %lt3A_100 = arith.constant 0 : i32
        %lt3A_101 = arith.cmpi slt, %rem3A_97, %lt3A_100 : i32
        %lt3A_102 = arith.constant 0 : i32
        %lt3A_103 = arith.cmpi slt, %select_n3A_96, %lt3A_102 : i32
        %ne3A_104 = arith.xori %lt3A_101, %lt3A_103 : i1
        %and3A_105 = arith.andi %ne3A_104, %ne3A_99 : i1
        %add3A_106 = arith.addi %rem3A_97, %select_n3A_96 : i32
        %select_n3A_107 = arith.select %and3A_105, %add3A_106, %rem3A_97 : i32
        %eq3A_108 = arith.constant 1 : i32
        %eq3A_109 = arith.cmpi eq, %select_n3A_107, %eq3A_108 : i32
        %convert_element_type3A_110 = arith.extui %eq3A_109 : i1 to i32
        %cond3A_111 = arith.constant 0 : i32
        %cond3A_112 = arith.cmpi ne, %convert_element_type3A_110, %cond3A_111 : i32
        scf.if %cond3A_112 {
          %dma_wait3A_155 = tpu.memref_slice %arg4[%mul3A_73] : memref<320000xi32, #tpu.memory_space<hbm>> -> memref<128xi32, #tpu.memory_space<hbm>>
          %dma_wait3A_156 = tpu.memref_slice %arg4[%mul3A_73] : memref<320000xi32, #tpu.memory_space<hbm>> -> memref<128xi32, #tpu.memory_space<hbm>>
          tpu.wait_dma2 semaphore(%arg19 : memref<!tpu.dma_semaphore, #tpu.memory_space<semaphore_mem>>) src(%dma_wait3A_156 : memref<128xi32, #tpu.memory_space<hbm>>) dst(%arg10 : memref<128xi32, #tpu.memory_space<vmem>>)
          %ge3A = arith.constant 2 : i32
          %ge3A_157 = arith.cmpi sge, %add3A_60, %ge3A : i32
          %convert_element_type3A_158 = arith.extui %ge3A_157 : i1 to i32
          %cond3A_159 = arith.constant 0 : i32
          %cond3A_160 = arith.cmpi ne, %convert_element_type3A_158, %cond3A_159 : i32
          scf.if %cond3A_160 {
            %dma_wait3A_185 = arith.constant 0 : i32
            %dma_wait3A_186 = arith.constant 0 : i32
            %dma_wait3A_187 = tpu.memref_slice %arg15[%dma_wait3A_185, %dma_wait3A_186] : memref<10000x128xf32, #tpu.memory_space<vmem_shared>> -> memref<10000x128xf32, #tpu.memory_space<vmem_shared>>
            tpu.wait_indirect_dma semaphore(%arg21 : memref<!tpu.dma_semaphore, #tpu.memory_space<semaphore_mem>>) src(%arg14 : memref<128x128xf32, #tpu.memory_space<vmem>>) dst(%dma_wait3A_187 : memref<10000x128xf32, #tpu.memory_space<vmem_shared>>)
          } else {
          }
          %add3A_161 = arith.constant 2 : i32
          %add3A_162 = arith.addi %add3A_60, %add3A_161 : i32
          %mul3A_163 = arith.constant 32 : i32
          %mul3A_164 = arith.muli %mul3A_163, %add3A_162 : i32
          %add3A_165 = arith.addi %add3A, %mul3A_164 : i32
          %lt3A_166 = arith.constant 2500 : i32
          %lt3A_167 = arith.cmpi slt, %add3A_165, %lt3A_166 : i32
          %convert_element_type3A_168 = arith.extui %lt3A_167 : i1 to i32
          %cond3A_169 = arith.constant 0 : i32
          %cond3A_170 = arith.cmpi ne, %convert_element_type3A_168, %cond3A_169 : i32
          scf.if %cond3A_170 {
            %add3A_185 = arith.constant 2 : i32
            %add3A_186 = arith.addi %add3A_60, %add3A_185 : i32
            %mul3A_187 = arith.constant 32 : i32
            %mul3A_188 = arith.muli %mul3A_187, %add3A_186 : i32
            %add3A_189 = arith.addi %add3A, %mul3A_188 : i32
            %mul3A_190 = arith.constant 128 : i32
            %mul3A_191 = arith.muli %add3A_189, %mul3A_190 : i32
            %dma_start3A_192 = tpu.memref_slice %arg4[%mul3A_191] : memref<320000xi32, #tpu.memory_space<hbm>> -> memref<128xi32, #tpu.memory_space<hbm>>
            %dma_start3A_193 = tpu.memref_slice %arg4[%mul3A_191] : memref<320000xi32, #tpu.memory_space<hbm>> -> memref<128xi32, #tpu.memory_space<hbm>>
            tpu.enqueue_dma source(%dma_start3A_193 : memref<128xi32, #tpu.memory_space<hbm>>) target(%arg12 : memref<128xi32, #tpu.memory_space<vmem>>) target_semaphore(%arg19 : memref<!tpu.dma_semaphore, #tpu.memory_space<semaphore_mem>>)
          } else {
          }
          %dma_start3A_171 = arith.constant 0 : i32
          %dma_start3A_172 = arith.constant 0 : i32
          %dma_start3A_173 = tpu.memref_slice %arg2[%dma_start3A_171, %dma_start3A_172] : memref<10000x128xf32, #tpu.memory_space<hbm>> -> memref<10000x128xf32, #tpu.memory_space<hbm>>
          tpu.enqueue_indirect_dma source(%dma_start3A_173 : memref<10000x128xf32, #tpu.memory_space<hbm>>) target(%arg14 : memref<128x128xf32, #tpu.memory_space<vmem>>) offsets(%arg8 : memref<128xi32, #tpu.memory_space<vmem>>) semaphore(%arg20 : memref<!tpu.dma_semaphore, #tpu.memory_space<semaphore_mem>>)
          %dma_wait3A_174 = arith.constant 0 : i32
          %dma_wait3A_175 = arith.constant 0 : i32
          %dma_wait3A_176 = tpu.memref_slice %arg2[%dma_wait3A_174, %dma_wait3A_175] : memref<10000x128xf32, #tpu.memory_space<hbm>> -> memref<10000x128xf32, #tpu.memory_space<hbm>>
          tpu.wait_indirect_dma semaphore(%arg20 : memref<!tpu.dma_semaphore, #tpu.memory_space<semaphore_mem>>) src(%dma_wait3A_176 : memref<10000x128xf32, #tpu.memory_space<hbm>>) dst(%arg14 : memref<128x128xf32, #tpu.memory_space<vmem>>)
          %lt3A_177 = arith.constant 2500 : i32
          %lt3A_178 = arith.cmpi slt, %add3A_165, %lt3A_177 : i32
          %convert_element_type3A_179 = arith.extui %lt3A_178 : i1 to i32
          %cond3A_180 = arith.constant 0 : i32
          %cond3A_181 = arith.cmpi ne, %convert_element_type3A_179, %cond3A_180 : i32
          scf.if %cond3A_181 {
            %add3A_185 = arith.constant 2 : i32
            %add3A_186 = arith.addi %add3A_60, %add3A_185 : i32
            %mul3A_187 = arith.constant 32 : i32
            %mul3A_188 = arith.muli %mul3A_187, %add3A_186 : i32
            %add3A_189 = arith.addi %add3A, %mul3A_188 : i32
            %mul3A_190 = arith.constant 128 : i32
            %mul3A_191 = arith.muli %add3A_189, %mul3A_190 : i32
            %dma_start3A_192 = tpu.memref_slice %arg3[%mul3A_191] : memref<320000xi32, #tpu.memory_space<hbm>> -> memref<128xi32, #tpu.memory_space<hbm>>
            %dma_start3A_193 = tpu.memref_slice %arg3[%mul3A_191] : memref<320000xi32, #tpu.memory_space<hbm>> -> memref<128xi32, #tpu.memory_space<hbm>>
            tpu.enqueue_dma source(%dma_start3A_193 : memref<128xi32, #tpu.memory_space<hbm>>) target(%arg8 : memref<128xi32, #tpu.memory_space<vmem>>) target_semaphore(%arg19 : memref<!tpu.dma_semaphore, #tpu.memory_space<semaphore_mem>>)
          } else {
          }
          %dma_start3A_182 = arith.constant 0 : i32
          %dma_start3A_183 = arith.constant 0 : i32
          %dma_start3A_184 = tpu.memref_slice %arg15[%dma_start3A_182, %dma_start3A_183] : memref<10000x128xf32, #tpu.memory_space<vmem_shared>> -> memref<10000x128xf32, #tpu.memory_space<vmem_shared>>
          tpu.enqueue_indirect_dma source(%arg14 : memref<128x128xf32, #tpu.memory_space<vmem>>) target(%dma_start3A_184 : memref<10000x128xf32, #tpu.memory_space<vmem_shared>>) offsets(%arg10 : memref<128xi32, #tpu.memory_space<vmem>>) semaphore(%arg21 : memref<!tpu.dma_semaphore, #tpu.memory_space<semaphore_mem>>) {add = true}
        } else {
        }
        %jit3A_113 = arith.constant 4 : i32
        %eq3A_114 = arith.constant 0 : i32
        %eq3A_115 = arith.cmpi eq, %jit3A_113, %eq3A_114 : i32
        %jit3A_116 = arith.constant 1 : i32
        %select_n3A_117 = arith.select %eq3A_115, %jit3A_116, %jit3A_113 : i32
        %rem3A_118 = arith.remsi %add3A_60, %select_n3A_117 : i32
        %ne3A_119 = arith.constant 0 : i32
        %ne3A_120 = arith.cmpi ne, %rem3A_118, %ne3A_119 : i32
        %lt3A_121 = arith.constant 0 : i32
        %lt3A_122 = arith.cmpi slt, %rem3A_118, %lt3A_121 : i32
        %lt3A_123 = arith.constant 0 : i32
        %lt3A_124 = arith.cmpi slt, %select_n3A_117, %lt3A_123 : i32
        %ne3A_125 = arith.xori %lt3A_122, %lt3A_124 : i1
        %and3A_126 = arith.andi %ne3A_125, %ne3A_120 : i1
        %add3A_127 = arith.addi %rem3A_118, %select_n3A_117 : i32
        %select_n3A_128 = arith.select %and3A_126, %add3A_127, %rem3A_118 : i32
        %eq3A_129 = arith.constant 2 : i32
        %eq3A_130 = arith.cmpi eq, %select_n3A_128, %eq3A_129 : i32
        %convert_element_type3A_131 = arith.extui %eq3A_130 : i1 to i32
        %cond3A_132 = arith.constant 0 : i32
        %cond3A_133 = arith.cmpi ne, %convert_element_type3A_131, %cond3A_132 : i32
        scf.if %cond3A_133 {
          %dma_wait3A_155 = tpu.memref_slice %arg4[%mul3A_73] : memref<320000xi32, #tpu.memory_space<hbm>> -> memref<128xi32, #tpu.memory_space<hbm>>
          %dma_wait3A_156 = tpu.memref_slice %arg4[%mul3A_73] : memref<320000xi32, #tpu.memory_space<hbm>> -> memref<128xi32, #tpu.memory_space<hbm>>
          tpu.wait_dma2 semaphore(%arg19 : memref<!tpu.dma_semaphore, #tpu.memory_space<semaphore_mem>>) src(%dma_wait3A_156 : memref<128xi32, #tpu.memory_space<hbm>>) dst(%arg11 : memref<128xi32, #tpu.memory_space<vmem>>)
          %ge3A = arith.constant 2 : i32
          %ge3A_157 = arith.cmpi sge, %add3A_60, %ge3A : i32
          %convert_element_type3A_158 = arith.extui %ge3A_157 : i1 to i32
          %cond3A_159 = arith.constant 0 : i32
          %cond3A_160 = arith.cmpi ne, %convert_element_type3A_158, %cond3A_159 : i32
          scf.if %cond3A_160 {
            %dma_wait3A_185 = arith.constant 0 : i32
            %dma_wait3A_186 = arith.constant 0 : i32
            %dma_wait3A_187 = tpu.memref_slice %arg15[%dma_wait3A_185, %dma_wait3A_186] : memref<10000x128xf32, #tpu.memory_space<vmem_shared>> -> memref<10000x128xf32, #tpu.memory_space<vmem_shared>>
            tpu.wait_indirect_dma semaphore(%arg21 : memref<!tpu.dma_semaphore, #tpu.memory_space<semaphore_mem>>) src(%arg14 : memref<128x128xf32, #tpu.memory_space<vmem>>) dst(%dma_wait3A_187 : memref<10000x128xf32, #tpu.memory_space<vmem_shared>>)
          } else {
          }
          %add3A_161 = arith.constant 2 : i32
          %add3A_162 = arith.addi %add3A_60, %add3A_161 : i32
          %mul3A_163 = arith.constant 32 : i32
          %mul3A_164 = arith.muli %mul3A_163, %add3A_162 : i32
          %add3A_165 = arith.addi %add3A, %mul3A_164 : i32
          %lt3A_166 = arith.constant 2500 : i32
          %lt3A_167 = arith.cmpi slt, %add3A_165, %lt3A_166 : i32
          %convert_element_type3A_168 = arith.extui %lt3A_167 : i1 to i32
          %cond3A_169 = arith.constant 0 : i32
          %cond3A_170 = arith.cmpi ne, %convert_element_type3A_168, %cond3A_169 : i32
          scf.if %cond3A_170 {
            %add3A_185 = arith.constant 2 : i32
            %add3A_186 = arith.addi %add3A_60, %add3A_185 : i32
            %mul3A_187 = arith.constant 32 : i32
            %mul3A_188 = arith.muli %mul3A_187, %add3A_186 : i32
            %add3A_189 = arith.addi %add3A, %mul3A_188 : i32
            %mul3A_190 = arith.constant 128 : i32
            %mul3A_191 = arith.muli %add3A_189, %mul3A_190 : i32
            %dma_start3A_192 = tpu.memref_slice %arg4[%mul3A_191] : memref<320000xi32, #tpu.memory_space<hbm>> -> memref<128xi32, #tpu.memory_space<hbm>>
            %dma_start3A_193 = tpu.memref_slice %arg4[%mul3A_191] : memref<320000xi32, #tpu.memory_space<hbm>> -> memref<128xi32, #tpu.memory_space<hbm>>
            tpu.enqueue_dma source(%dma_start3A_193 : memref<128xi32, #tpu.memory_space<hbm>>) target(%arg9 : memref<128xi32, #tpu.memory_space<vmem>>) target_semaphore(%arg19 : memref<!tpu.dma_semaphore, #tpu.memory_space<semaphore_mem>>)
          } else {
          }
          %dma_start3A_171 = arith.constant 0 : i32
          %dma_start3A_172 = arith.constant 0 : i32
          %dma_start3A_173 = tpu.memref_slice %arg2[%dma_start3A_171, %dma_start3A_172] : memref<10000x128xf32, #tpu.memory_space<hbm>> -> memref<10000x128xf32, #tpu.memory_space<hbm>>
          tpu.enqueue_indirect_dma source(%dma_start3A_173 : memref<10000x128xf32, #tpu.memory_space<hbm>>) target(%arg14 : memref<128x128xf32, #tpu.memory_space<vmem>>) offsets(%arg8 : memref<128xi32, #tpu.memory_space<vmem>>) semaphore(%arg20 : memref<!tpu.dma_semaphore, #tpu.memory_space<semaphore_mem>>)
          %dma_wait3A_174 = arith.constant 0 : i32
          %dma_wait3A_175 = arith.constant 0 : i32
          %dma_wait3A_176 = tpu.memref_slice %arg2[%dma_wait3A_174, %dma_wait3A_175] : memref<10000x128xf32, #tpu.memory_space<hbm>> -> memref<10000x128xf32, #tpu.memory_space<hbm>>
          tpu.wait_indirect_dma semaphore(%arg20 : memref<!tpu.dma_semaphore, #tpu.memory_space<semaphore_mem>>) src(%dma_wait3A_176 : memref<10000x128xf32, #tpu.memory_space<hbm>>) dst(%arg14 : memref<128x128xf32, #tpu.memory_space<vmem>>)
          %lt3A_177 = arith.constant 2500 : i32
          %lt3A_178 = arith.cmpi slt, %add3A_165, %lt3A_177 : i32
          %convert_element_type3A_179 = arith.extui %lt3A_178 : i1 to i32
          %cond3A_180 = arith.constant 0 : i32
          %cond3A_181 = arith.cmpi ne, %convert_element_type3A_179, %cond3A_180 : i32
          scf.if %cond3A_181 {
            %add3A_185 = arith.constant 2 : i32
            %add3A_186 = arith.addi %add3A_60, %add3A_185 : i32
            %mul3A_187 = arith.constant 32 : i32
            %mul3A_188 = arith.muli %mul3A_187, %add3A_186 : i32
            %add3A_189 = arith.addi %add3A, %mul3A_188 : i32
            %mul3A_190 = arith.constant 128 : i32
            %mul3A_191 = arith.muli %add3A_189, %mul3A_190 : i32
            %dma_start3A_192 = tpu.memref_slice %arg3[%mul3A_191] : memref<320000xi32, #tpu.memory_space<hbm>> -> memref<128xi32, #tpu.memory_space<hbm>>
            %dma_start3A_193 = tpu.memref_slice %arg3[%mul3A_191] : memref<320000xi32, #tpu.memory_space<hbm>> -> memref<128xi32, #tpu.memory_space<hbm>>
            tpu.enqueue_dma source(%dma_start3A_193 : memref<128xi32, #tpu.memory_space<hbm>>) target(%arg8 : memref<128xi32, #tpu.memory_space<vmem>>) target_semaphore(%arg19 : memref<!tpu.dma_semaphore, #tpu.memory_space<semaphore_mem>>)
          } else {
          }
          %dma_start3A_182 = arith.constant 0 : i32
          %dma_start3A_183 = arith.constant 0 : i32
          %dma_start3A_184 = tpu.memref_slice %arg15[%dma_start3A_182, %dma_start3A_183] : memref<10000x128xf32, #tpu.memory_space<vmem_shared>> -> memref<10000x128xf32, #tpu.memory_space<vmem_shared>>
          tpu.enqueue_indirect_dma source(%arg14 : memref<128x128xf32, #tpu.memory_space<vmem>>) target(%dma_start3A_184 : memref<10000x128xf32, #tpu.memory_space<vmem_shared>>) offsets(%arg11 : memref<128xi32, #tpu.memory_space<vmem>>) semaphore(%arg21 : memref<!tpu.dma_semaphore, #tpu.memory_space<semaphore_mem>>) {add = true}
        } else {
        }
        %jit3A_134 = arith.constant 4 : i32
        %eq3A_135 = arith.constant 0 : i32
        %eq3A_136 = arith.cmpi eq, %jit3A_134, %eq3A_135 : i32
        %jit3A_137 = arith.constant 1 : i32
        %select_n3A_138 = arith.select %eq3A_136, %jit3A_137, %jit3A_134 : i32
        %rem3A_139 = arith.remsi %add3A_60, %select_n3A_138 : i32
        %ne3A_140 = arith.constant 0 : i32
        %ne3A_141 = arith.cmpi ne, %rem3A_139, %ne3A_140 : i32
        %lt3A_142 = arith.constant 0 : i32
        %lt3A_143 = arith.cmpi slt, %rem3A_139, %lt3A_142 : i32
        %lt3A_144 = arith.constant 0 : i32
        %lt3A_145 = arith.cmpi slt, %select_n3A_138, %lt3A_144 : i32
        %ne3A_146 = arith.xori %lt3A_143, %lt3A_145 : i1
        %and3A_147 = arith.andi %ne3A_146, %ne3A_141 : i1
        %add3A_148 = arith.addi %rem3A_139, %select_n3A_138 : i32
        %select_n3A_149 = arith.select %and3A_147, %add3A_148, %rem3A_139 : i32
        %eq3A_150 = arith.constant 3 : i32
        %eq3A_151 = arith.cmpi eq, %select_n3A_149, %eq3A_150 : i32
        %convert_element_type3A_152 = arith.extui %eq3A_151 : i1 to i32
        %cond3A_153 = arith.constant 0 : i32
        %cond3A_154 = arith.cmpi ne, %convert_element_type3A_152, %cond3A_153 : i32
        scf.if %cond3A_154 {
          %dma_wait3A_155 = tpu.memref_slice %arg4[%mul3A_73] : memref<320000xi32, #tpu.memory_space<hbm>> -> memref<128xi32, #tpu.memory_space<hbm>>
          %dma_wait3A_156 = tpu.memref_slice %arg4[%mul3A_73] : memref<320000xi32, #tpu.memory_space<hbm>> -> memref<128xi32, #tpu.memory_space<hbm>>
          tpu.wait_dma2 semaphore(%arg19 : memref<!tpu.dma_semaphore, #tpu.memory_space<semaphore_mem>>) src(%dma_wait3A_156 : memref<128xi32, #tpu.memory_space<hbm>>) dst(%arg12 : memref<128xi32, #tpu.memory_space<vmem>>)
          %ge3A = arith.constant 2 : i32
          %ge3A_157 = arith.cmpi sge, %add3A_60, %ge3A : i32
          %convert_element_type3A_158 = arith.extui %ge3A_157 : i1 to i32
          %cond3A_159 = arith.constant 0 : i32
          %cond3A_160 = arith.cmpi ne, %convert_element_type3A_158, %cond3A_159 : i32
          scf.if %cond3A_160 {
            %dma_wait3A_185 = arith.constant 0 : i32
            %dma_wait3A_186 = arith.constant 0 : i32
            %dma_wait3A_187 = tpu.memref_slice %arg15[%dma_wait3A_185, %dma_wait3A_186] : memref<10000x128xf32, #tpu.memory_space<vmem_shared>> -> memref<10000x128xf32, #tpu.memory_space<vmem_shared>>
            tpu.wait_indirect_dma semaphore(%arg21 : memref<!tpu.dma_semaphore, #tpu.memory_space<semaphore_mem>>) src(%arg14 : memref<128x128xf32, #tpu.memory_space<vmem>>) dst(%dma_wait3A_187 : memref<10000x128xf32, #tpu.memory_space<vmem_shared>>)
          } else {
          }
          %add3A_161 = arith.constant 2 : i32
          %add3A_162 = arith.addi %add3A_60, %add3A_161 : i32
          %mul3A_163 = arith.constant 32 : i32
          %mul3A_164 = arith.muli %mul3A_163, %add3A_162 : i32
          %add3A_165 = arith.addi %add3A, %mul3A_164 : i32
          %lt3A_166 = arith.constant 2500 : i32
          %lt3A_167 = arith.cmpi slt, %add3A_165, %lt3A_166 : i32
          %convert_element_type3A_168 = arith.extui %lt3A_167 : i1 to i32
          %cond3A_169 = arith.constant 0 : i32
          %cond3A_170 = arith.cmpi ne, %convert_element_type3A_168, %cond3A_169 : i32
          scf.if %cond3A_170 {
            %add3A_185 = arith.constant 2 : i32
            %add3A_186 = arith.addi %add3A_60, %add3A_185 : i32
            %mul3A_187 = arith.constant 32 : i32
            %mul3A_188 = arith.muli %mul3A_187, %add3A_186 : i32
            %add3A_189 = arith.addi %add3A, %mul3A_188 : i32
            %mul3A_190 = arith.constant 128 : i32
            %mul3A_191 = arith.muli %add3A_189, %mul3A_190 : i32
            %dma_start3A_192 = tpu.memref_slice %arg4[%mul3A_191] : memref<320000xi32, #tpu.memory_space<hbm>> -> memref<128xi32, #tpu.memory_space<hbm>>
            %dma_start3A_193 = tpu.memref_slice %arg4[%mul3A_191] : memref<320000xi32, #tpu.memory_space<hbm>> -> memref<128xi32, #tpu.memory_space<hbm>>
            tpu.enqueue_dma source(%dma_start3A_193 : memref<128xi32, #tpu.memory_space<hbm>>) target(%arg10 : memref<128xi32, #tpu.memory_space<vmem>>) target_semaphore(%arg19 : memref<!tpu.dma_semaphore, #tpu.memory_space<semaphore_mem>>)
          } else {
          }
          %dma_start3A_171 = arith.constant 0 : i32
          %dma_start3A_172 = arith.constant 0 : i32
          %dma_start3A_173 = tpu.memref_slice %arg2[%dma_start3A_171, %dma_start3A_172] : memref<10000x128xf32, #tpu.memory_space<hbm>> -> memref<10000x128xf32, #tpu.memory_space<hbm>>
          tpu.enqueue_indirect_dma source(%dma_start3A_173 : memref<10000x128xf32, #tpu.memory_space<hbm>>) target(%arg14 : memref<128x128xf32, #tpu.memory_space<vmem>>) offsets(%arg8 : memref<128xi32, #tpu.memory_space<vmem>>) semaphore(%arg20 : memref<!tpu.dma_semaphore, #tpu.memory_space<semaphore_mem>>)
          %dma_wait3A_174 = arith.constant 0 : i32
          %dma_wait3A_175 = arith.constant 0 : i32
          %dma_wait3A_176 = tpu.memref_slice %arg2[%dma_wait3A_174, %dma_wait3A_175] : memref<10000x128xf32, #tpu.memory_space<hbm>> -> memref<10000x128xf32, #tpu.memory_space<hbm>>
          tpu.wait_indirect_dma semaphore(%arg20 : memref<!tpu.dma_semaphore, #tpu.memory_space<semaphore_mem>>) src(%dma_wait3A_176 : memref<10000x128xf32, #tpu.memory_space<hbm>>) dst(%arg14 : memref<128x128xf32, #tpu.memory_space<vmem>>)
          %lt3A_177 = arith.constant 2500 : i32
          %lt3A_178 = arith.cmpi slt, %add3A_165, %lt3A_177 : i32
          %convert_element_type3A_179 = arith.extui %lt3A_178 : i1 to i32
          %cond3A_180 = arith.constant 0 : i32
          %cond3A_181 = arith.cmpi ne, %convert_element_type3A_179, %cond3A_180 : i32
          scf.if %cond3A_181 {
            %add3A_185 = arith.constant 2 : i32
            %add3A_186 = arith.addi %add3A_60, %add3A_185 : i32
            %mul3A_187 = arith.constant 32 : i32
            %mul3A_188 = arith.muli %mul3A_187, %add3A_186 : i32
            %add3A_189 = arith.addi %add3A, %mul3A_188 : i32
            %mul3A_190 = arith.constant 128 : i32
            %mul3A_191 = arith.muli %add3A_189, %mul3A_190 : i32
            %dma_start3A_192 = tpu.memref_slice %arg3[%mul3A_191] : memref<320000xi32, #tpu.memory_space<hbm>> -> memref<128xi32, #tpu.memory_space<hbm>>
            %dma_start3A_193 = tpu.memref_slice %arg3[%mul3A_191] : memref<320000xi32, #tpu.memory_space<hbm>> -> memref<128xi32, #tpu.memory_space<hbm>>
            tpu.enqueue_dma source(%dma_start3A_193 : memref<128xi32, #tpu.memory_space<hbm>>) target(%arg8 : memref<128xi32, #tpu.memory_space<vmem>>) target_semaphore(%arg19 : memref<!tpu.dma_semaphore, #tpu.memory_space<semaphore_mem>>)
          } else {
          }
          %dma_start3A_182 = arith.constant 0 : i32
          %dma_start3A_183 = arith.constant 0 : i32
          %dma_start3A_184 = tpu.memref_slice %arg15[%dma_start3A_182, %dma_start3A_183] : memref<10000x128xf32, #tpu.memory_space<vmem_shared>> -> memref<10000x128xf32, #tpu.memory_space<vmem_shared>>
          tpu.enqueue_indirect_dma source(%arg14 : memref<128x128xf32, #tpu.memory_space<vmem>>) target(%dma_start3A_184 : memref<10000x128xf32, #tpu.memory_space<vmem_shared>>) offsets(%arg12 : memref<128xi32, #tpu.memory_space<vmem>>) semaphore(%arg21 : memref<!tpu.dma_semaphore, #tpu.memory_space<semaphore_mem>>) {add = true}
        } else {
        }
      } else {
      }
    }
    %scan3A_29 = arith.constant 40 : i32
    %dma_wait3A = arith.constant 0 : i32
    %dma_wait3A_30 = arith.constant 0 : i32
    %dma_wait3A_31 = tpu.memref_slice %arg15[%dma_wait3A, %dma_wait3A_30] : memref<10000x128xf32, #tpu.memory_space<vmem_shared>> -> memref<10000x128xf32, #tpu.memory_space<vmem_shared>>
    tpu.wait_indirect_dma semaphore(%arg18 : memref<!tpu.dma_semaphore, #tpu.memory_space<semaphore_mem>>) src(%arg13 : memref<128x128xf32, #tpu.memory_space<vmem>>) dst(%dma_wait3A_31 : memref<10000x128xf32, #tpu.memory_space<vmem_shared>>)
    %dma_wait3A_32 = arith.constant 0 : i32
    %dma_wait3A_33 = arith.constant 0 : i32
    %dma_wait3A_34 = tpu.memref_slice %arg15[%dma_wait3A_32, %dma_wait3A_33] : memref<10000x128xf32, #tpu.memory_space<vmem_shared>> -> memref<10000x128xf32, #tpu.memory_space<vmem_shared>>
    tpu.wait_indirect_dma semaphore(%arg21 : memref<!tpu.dma_semaphore, #tpu.memory_space<semaphore_mem>>) src(%arg14 : memref<128x128xf32, #tpu.memory_space<vmem>>) dst(%dma_wait3A_34 : memref<10000x128xf32, #tpu.memory_space<vmem_shared>>)
    %barrier3A_35 = arith.constant 0 : index
    tpu.barrier barrier_id(%barrier3A_35)
    %eq3A_36 = arith.constant 0 : i32
    %eq3A_37 = arith.cmpi eq, %arg1, %eq3A_36 : i32
    %convert_element_type3A_38 = arith.extui %eq3A_37 : i1 to i32
    %cond3A_39 = arith.constant 0 : i32
    %cond3A_40 = arith.cmpi ne, %convert_element_type3A_38, %cond3A_39 : i32
    scf.if %cond3A_40 {
      "tpu.region"() ({
        %run_scoped3A = tpu.sem_alloc : memref<!tpu.dma_semaphore, #tpu.memory_space<semaphore_mem>>
        %dma_start3A_41 = arith.constant 0 : i32
        %dma_start3A_42 = arith.constant 0 : i32
        %dma_start3A_43 = tpu.memref_slice %arg6[%arg0, %dma_start3A_41, %dma_start3A_42] : memref<2x10000x128xf32, #tpu.memory_space<hbm>> -> memref<1x10000x128xf32, #tpu.memory_space<hbm>>
        %dma_start3A_44 = tpu.memref_squeeze %dma_start3A_43 : memref<1x10000x128xf32, #tpu.memory_space<hbm>> -> memref<10000x128xf32, #tpu.memory_space<hbm>>
        tpu.enqueue_dma source(%arg15 : memref<10000x128xf32, #tpu.memory_space<vmem_shared>>) target(%dma_start3A_44 : memref<10000x128xf32, #tpu.memory_space<hbm>>) target_semaphore(%run_scoped3A : memref<!tpu.dma_semaphore, #tpu.memory_space<semaphore_mem>>)
        %dma_wait3A_45 = arith.constant 0 : i32
        %dma_wait3A_46 = arith.constant 0 : i32
        %dma_wait3A_47 = tpu.memref_slice %arg6[%arg0, %dma_wait3A_45, %dma_wait3A_46] : memref<2x10000x128xf32, #tpu.memory_space<hbm>> -> memref<1x10000x128xf32, #tpu.memory_space<hbm>>
        %dma_wait3A_48 = tpu.memref_squeeze %dma_wait3A_47 : memref<1x10000x128xf32, #tpu.memory_space<hbm>> -> memref<10000x128xf32, #tpu.memory_space<hbm>>
        tpu.wait_dma2 semaphore(%run_scoped3A : memref<!tpu.dma_semaphore, #tpu.memory_space<semaphore_mem>>) src(%arg15 : memref<10000x128xf32, #tpu.memory_space<vmem_shared>>) dst(%dma_wait3A_48 : memref<10000x128xf32, #tpu.memory_space<hbm>>)
        tpu.yield
      }) : () -> ()
    } else {
    }
    return
  }
}

#map = affine_map<(d0, d1) -> (0)>
#map1 = affine_map<(d0, d1) -> (0, 0)>
module attributes {stable_mosaic.version = 14 : i64} {
  func.func @_sc_degree(%arg0: i32, %arg1: i32, %arg2: memref<320000xi32, #tpu.memory_space<hbm>>, %arg3: memref<80xf32, #tpu.memory_space<hbm>>, %arg4: memref<10000xf32, #tpu.memory_space<hbm>>, %arg5: memref<2x10000xf32, #tpu.memory_space<hbm>>, %arg6: memref<80xi32, #tpu.memory_space<vmem>>, %arg7: memref<80xi32, #tpu.memory_space<vmem>>, %arg8: memref<80xf32, #tpu.memory_space<vmem>>, %arg9: memref<10000xf32, #tpu.memory_space<vmem_shared>>, %arg10: memref<!tpu.dma_semaphore, #tpu.memory_space<semaphore_mem>>, %arg11: memref<!tpu.dma_semaphore, #tpu.memory_space<semaphore_mem>>, %arg12: memref<!tpu.dma_semaphore, #tpu.memory_space<semaphore_mem>>, %arg13: memref<!tpu.dma_semaphore, #tpu.memory_space<semaphore_mem>>) attributes {dimension_semantics = [#tpu.dimension_semantics<core_parallel>, #tpu.dimension_semantics<subcore_parallel>], iteration_bounds = array<i64: 2, 16>, scalar_prefetch = 0 : i64, scratch_operands = 8 : i64, tpu.core_type = #tpu.core_type<sc_vector_subcore>, window_params = [{transform_indices = #map}, {transform_indices = #map}, {transform_indices = #map}, {transform_indices = #map1}]} {
    %mul3A = arith.constant 16 : i32
    %mul3A_0 = arith.muli %arg0, %mul3A : i32
    %add3A = arith.addi %mul3A_0, %arg1 : i32
    %mul3A_1 = arith.constant 125 : i32
    %mul3A_2 = arith.muli %add3A, %mul3A_1 : i32
    %mul3A_3 = arith.constant 80 : i32
    %mul3A_4 = arith.muli %mul3A_2, %mul3A_3 : i32
    "tpu.region"() ({
      %run_scoped3A = tpu.sem_alloc : memref<!tpu.dma_semaphore, #tpu.memory_space<semaphore_mem>>
      tpu.enqueue_dma source(%arg3 : memref<80xf32, #tpu.memory_space<hbm>>) target(%arg8 : memref<80xf32, #tpu.memory_space<vmem>>) target_semaphore(%run_scoped3A : memref<!tpu.dma_semaphore, #tpu.memory_space<semaphore_mem>>)
      tpu.wait_dma2 semaphore(%run_scoped3A : memref<!tpu.dma_semaphore, #tpu.memory_space<semaphore_mem>>) src(%arg3 : memref<80xf32, #tpu.memory_space<hbm>>) dst(%arg8 : memref<80xf32, #tpu.memory_space<vmem>>)
      tpu.yield
    }) : () -> ()
    %eq3A = arith.constant 0 : i32
    %eq3A_5 = arith.cmpi eq, %arg1, %eq3A : i32
    %convert_element_type3A = arith.extui %eq3A_5 : i1 to i32
    %cond3A = arith.constant 0 : i32
    %cond3A_6 = arith.cmpi ne, %convert_element_type3A, %cond3A : i32
    scf.if %cond3A_6 {
      "tpu.region"() ({
        %run_scoped3A = tpu.sem_alloc : memref<!tpu.dma_semaphore, #tpu.memory_space<semaphore_mem>>
        tpu.enqueue_dma source(%arg4 : memref<10000xf32, #tpu.memory_space<hbm>>) target(%arg9 : memref<10000xf32, #tpu.memory_space<vmem_shared>>) target_semaphore(%run_scoped3A : memref<!tpu.dma_semaphore, #tpu.memory_space<semaphore_mem>>)
        tpu.wait_dma2 semaphore(%run_scoped3A : memref<!tpu.dma_semaphore, #tpu.memory_space<semaphore_mem>>) src(%arg4 : memref<10000xf32, #tpu.memory_space<hbm>>) dst(%arg9 : memref<10000xf32, #tpu.memory_space<vmem_shared>>)
        tpu.yield
      }) : () -> ()
    } else {
    }
    %barrier3A = arith.constant 0 : index
    tpu.barrier barrier_id(%barrier3A)
    %scan3A = arith.constant 0 : i32
    %scan3A_7 = arith.constant 63 : i32
    %scan3A_8 = arith.addi %scan3A, %scan3A_7 : i32
    %scan3A_9 = arith.constant 1 : i32
    scf.for %scan3A_20 = %scan3A to %scan3A_8 step %scan3A_9  : i32 {
      %mul3A_21 = arith.constant 1 : i32
      %mul3A_22 = arith.muli %scan3A_20, %mul3A_21 : i32
      %add3A_23 = arith.constant 0 : i32
      %add3A_24 = arith.addi %add3A_23, %mul3A_22 : i32
      %mul3A_25 = arith.constant 2 : i32
      %mul3A_26 = arith.muli %mul3A_25, %add3A_24 : i32
      %add3A_27 = arith.constant 0 : i32
      %add3A_28 = arith.addi %mul3A_26, %add3A_27 : i32
      %lt3A = arith.constant 125 : i32
      %lt3A_29 = arith.cmpi slt, %add3A_28, %lt3A : i32
      %convert_element_type3A_30 = arith.extui %lt3A_29 : i1 to i32
      %cond3A_31 = arith.constant 0 : i32
      %cond3A_32 = arith.cmpi ne, %convert_element_type3A_30, %cond3A_31 : i32
      scf.if %cond3A_32 {
        %mul3A_42 = arith.constant 80 : i32
        %mul3A_43 = arith.muli %add3A_28, %mul3A_42 : i32
        %add3A_44 = arith.addi %mul3A_4, %mul3A_43 : i32
        %ge3A = arith.constant 2 : i32
        %ge3A_45 = arith.cmpi sge, %add3A_28, %ge3A : i32
        %convert_element_type3A_46 = arith.extui %ge3A_45 : i1 to i32
        %cond3A_47 = arith.constant 0 : i32
        %cond3A_48 = arith.cmpi ne, %convert_element_type3A_46, %cond3A_47 : i32
        scf.if %cond3A_48 {
          %dma_wait3A_54 = arith.constant 0 : i32
          %dma_wait3A_55 = tpu.memref_slice %arg9[%dma_wait3A_54] : memref<10000xf32, #tpu.memory_space<vmem_shared>> -> memref<10000xf32, #tpu.memory_space<vmem_shared>>
          tpu.wait_indirect_dma semaphore(%arg11 : memref<!tpu.dma_semaphore, #tpu.memory_space<semaphore_mem>>) src(%arg8 : memref<80xf32, #tpu.memory_space<vmem>>) dst(%dma_wait3A_55 : memref<10000xf32, #tpu.memory_space<vmem_shared>>)
        } else {
        }
        %dma_start3A = tpu.memref_slice %arg2[%add3A_44] : memref<320000xi32, #tpu.memory_space<hbm>> -> memref<80xi32, #tpu.memory_space<hbm>>
        %dma_start3A_49 = tpu.memref_slice %arg2[%add3A_44] : memref<320000xi32, #tpu.memory_space<hbm>> -> memref<80xi32, #tpu.memory_space<hbm>>
        tpu.enqueue_dma source(%dma_start3A_49 : memref<80xi32, #tpu.memory_space<hbm>>) target(%arg6 : memref<80xi32, #tpu.memory_space<vmem>>) target_semaphore(%arg10 : memref<!tpu.dma_semaphore, #tpu.memory_space<semaphore_mem>>)
        %dma_wait3A_50 = tpu.memref_slice %arg2[%add3A_44] : memref<320000xi32, #tpu.memory_space<hbm>> -> memref<80xi32, #tpu.memory_space<hbm>>
        %dma_wait3A_51 = tpu.memref_slice %arg2[%add3A_44] : memref<320000xi32, #tpu.memory_space<hbm>> -> memref<80xi32, #tpu.memory_space<hbm>>
        tpu.wait_dma2 semaphore(%arg10 : memref<!tpu.dma_semaphore, #tpu.memory_space<semaphore_mem>>) src(%dma_wait3A_51 : memref<80xi32, #tpu.memory_space<hbm>>) dst(%arg6 : memref<80xi32, #tpu.memory_space<vmem>>)
        %dma_start3A_52 = arith.constant 0 : i32
        %dma_start3A_53 = tpu.memref_slice %arg9[%dma_start3A_52] : memref<10000xf32, #tpu.memory_space<vmem_shared>> -> memref<10000xf32, #tpu.memory_space<vmem_shared>>
        tpu.enqueue_indirect_dma source(%arg8 : memref<80xf32, #tpu.memory_space<vmem>>) target(%dma_start3A_53 : memref<10000xf32, #tpu.memory_space<vmem_shared>>) offsets(%arg6 : memref<80xi32, #tpu.memory_space<vmem>>) semaphore(%arg11 : memref<!tpu.dma_semaphore, #tpu.memory_space<semaphore_mem>>) {add = true}
      } else {
      }
      %mul3A_33 = arith.constant 2 : i32
      %mul3A_34 = arith.muli %mul3A_33, %add3A_24 : i32
      %add3A_35 = arith.constant 1 : i32
      %add3A_36 = arith.addi %mul3A_34, %add3A_35 : i32
      %lt3A_37 = arith.constant 125 : i32
      %lt3A_38 = arith.cmpi slt, %add3A_36, %lt3A_37 : i32
      %convert_element_type3A_39 = arith.extui %lt3A_38 : i1 to i32
      %cond3A_40 = arith.constant 0 : i32
      %cond3A_41 = arith.cmpi ne, %convert_element_type3A_39, %cond3A_40 : i32
      scf.if %cond3A_41 {
        %mul3A_42 = arith.constant 80 : i32
        %mul3A_43 = arith.muli %add3A_36, %mul3A_42 : i32
        %add3A_44 = arith.addi %mul3A_4, %mul3A_43 : i32
        %ge3A = arith.constant 2 : i32
        %ge3A_45 = arith.cmpi sge, %add3A_36, %ge3A : i32
        %convert_element_type3A_46 = arith.extui %ge3A_45 : i1 to i32
        %cond3A_47 = arith.constant 0 : i32
        %cond3A_48 = arith.cmpi ne, %convert_element_type3A_46, %cond3A_47 : i32
        scf.if %cond3A_48 {
          %dma_wait3A_54 = arith.constant 0 : i32
          %dma_wait3A_55 = tpu.memref_slice %arg9[%dma_wait3A_54] : memref<10000xf32, #tpu.memory_space<vmem_shared>> -> memref<10000xf32, #tpu.memory_space<vmem_shared>>
          tpu.wait_indirect_dma semaphore(%arg13 : memref<!tpu.dma_semaphore, #tpu.memory_space<semaphore_mem>>) src(%arg8 : memref<80xf32, #tpu.memory_space<vmem>>) dst(%dma_wait3A_55 : memref<10000xf32, #tpu.memory_space<vmem_shared>>)
        } else {
        }
        %dma_start3A = tpu.memref_slice %arg2[%add3A_44] : memref<320000xi32, #tpu.memory_space<hbm>> -> memref<80xi32, #tpu.memory_space<hbm>>
        %dma_start3A_49 = tpu.memref_slice %arg2[%add3A_44] : memref<320000xi32, #tpu.memory_space<hbm>> -> memref<80xi32, #tpu.memory_space<hbm>>
        tpu.enqueue_dma source(%dma_start3A_49 : memref<80xi32, #tpu.memory_space<hbm>>) target(%arg7 : memref<80xi32, #tpu.memory_space<vmem>>) target_semaphore(%arg12 : memref<!tpu.dma_semaphore, #tpu.memory_space<semaphore_mem>>)
        %dma_wait3A_50 = tpu.memref_slice %arg2[%add3A_44] : memref<320000xi32, #tpu.memory_space<hbm>> -> memref<80xi32, #tpu.memory_space<hbm>>
        %dma_wait3A_51 = tpu.memref_slice %arg2[%add3A_44] : memref<320000xi32, #tpu.memory_space<hbm>> -> memref<80xi32, #tpu.memory_space<hbm>>
        tpu.wait_dma2 semaphore(%arg12 : memref<!tpu.dma_semaphore, #tpu.memory_space<semaphore_mem>>) src(%dma_wait3A_51 : memref<80xi32, #tpu.memory_space<hbm>>) dst(%arg7 : memref<80xi32, #tpu.memory_space<vmem>>)
        %dma_start3A_52 = arith.constant 0 : i32
        %dma_start3A_53 = tpu.memref_slice %arg9[%dma_start3A_52] : memref<10000xf32, #tpu.memory_space<vmem_shared>> -> memref<10000xf32, #tpu.memory_space<vmem_shared>>
        tpu.enqueue_indirect_dma source(%arg8 : memref<80xf32, #tpu.memory_space<vmem>>) target(%dma_start3A_53 : memref<10000xf32, #tpu.memory_space<vmem_shared>>) offsets(%arg7 : memref<80xi32, #tpu.memory_space<vmem>>) semaphore(%arg13 : memref<!tpu.dma_semaphore, #tpu.memory_space<semaphore_mem>>) {add = true}
      } else {
      }
    }
    %scan3A_10 = arith.constant 63 : i32
    %dma_wait3A = arith.constant 0 : i32
    %dma_wait3A_11 = tpu.memref_slice %arg9[%dma_wait3A] : memref<10000xf32, #tpu.memory_space<vmem_shared>> -> memref<10000xf32, #tpu.memory_space<vmem_shared>>
    tpu.wait_indirect_dma semaphore(%arg11 : memref<!tpu.dma_semaphore, #tpu.memory_space<semaphore_mem>>) src(%arg8 : memref<80xf32, #tpu.memory_space<vmem>>) dst(%dma_wait3A_11 : memref<10000xf32, #tpu.memory_space<vmem_shared>>)
    %dma_wait3A_12 = arith.constant 0 : i32
    %dma_wait3A_13 = tpu.memref_slice %arg9[%dma_wait3A_12] : memref<10000xf32, #tpu.memory_space<vmem_shared>> -> memref<10000xf32, #tpu.memory_space<vmem_shared>>
    tpu.wait_indirect_dma semaphore(%arg13 : memref<!tpu.dma_semaphore, #tpu.memory_space<semaphore_mem>>) src(%arg8 : memref<80xf32, #tpu.memory_space<vmem>>) dst(%dma_wait3A_13 : memref<10000xf32, #tpu.memory_space<vmem_shared>>)
    %barrier3A_14 = arith.constant 0 : index
    tpu.barrier barrier_id(%barrier3A_14)
    %eq3A_15 = arith.constant 0 : i32
    %eq3A_16 = arith.cmpi eq, %arg1, %eq3A_15 : i32
    %convert_element_type3A_17 = arith.extui %eq3A_16 : i1 to i32
    %cond3A_18 = arith.constant 0 : i32
    %cond3A_19 = arith.cmpi ne, %convert_element_type3A_17, %cond3A_18 : i32
    scf.if %cond3A_19 {
      "tpu.region"() ({
        %run_scoped3A = tpu.sem_alloc : memref<!tpu.dma_semaphore, #tpu.memory_space<semaphore_mem>>
        %dma_start3A = arith.constant 0 : i32
        %dma_start3A_20 = tpu.memref_slice %arg5[%arg0, %dma_start3A] : memref<2x10000xf32, #tpu.memory_space<hbm>> -> memref<1x10000xf32, #tpu.memory_space<hbm>>
        %dma_start3A_21 = tpu.memref_squeeze %dma_start3A_20 : memref<1x10000xf32, #tpu.memory_space<hbm>> -> memref<10000xf32, #tpu.memory_space<hbm>>
        tpu.enqueue_dma source(%arg9 : memref<10000xf32, #tpu.memory_space<vmem_shared>>) target(%dma_start3A_21 : memref<10000xf32, #tpu.memory_space<hbm>>) target_semaphore(%run_scoped3A : memref<!tpu.dma_semaphore, #tpu.memory_space<semaphore_mem>>)
        %dma_wait3A_22 = arith.constant 0 : i32
        %dma_wait3A_23 = tpu.memref_slice %arg5[%arg0, %dma_wait3A_22] : memref<2x10000xf32, #tpu.memory_space<hbm>> -> memref<1x10000xf32, #tpu.memory_space<hbm>>
        %dma_wait3A_24 = tpu.memref_squeeze %dma_wait3A_23 : memref<1x10000xf32, #tpu.memory_space<hbm>> -> memref<10000xf32, #tpu.memory_space<hbm>>
        tpu.wait_dma2 semaphore(%run_scoped3A : memref<!tpu.dma_semaphore, #tpu.memory_space<semaphore_mem>>) src(%arg9 : memref<10000xf32, #tpu.memory_space<vmem_shared>>) dst(%dma_wait3A_24 : memref<10000xf32, #tpu.memory_space<hbm>>)
        tpu.yield
      }) : () -> ()
    } else {
    }
    return
  }
}

module attributes {stable_mosaic.version = 14 : i64} {
  func.func @_mm_body(%arg0: i32, %arg1: memref<2000x128xf32, #tpu.memory_space<vmem>>, %arg2: memref<128x128xf32, #tpu.memory_space<vmem>>, %arg3: memref<2000x128xf32, #tpu.memory_space<vmem>>) attributes {dimension_semantics = [#tpu.dimension_semantics<arbitrary>], iteration_bounds = array<i64: 5>, scalar_prefetch = 0 : i64, scratch_operands = 0 : i64, tpu.core_type = #tpu.core_type<tc>, window_params = [{transform_indices = @transform_0, window_bounds = array<i64: 2000, 128>}, {pipeline_mode = #tpu.pipeline_mode<synchronous>, transform_indices = @transform_1, window_bounds = array<i64: 128, 128>}, {transform_indices = @transform_2, window_bounds = array<i64: 2000, 128>}]} {
    %get3A = arith.constant 0 : index
    %get3A_0 = arith.constant 0 : index
    %get3A_1 = vector.load %arg1[%get3A, %get3A_0] : memref<2000x128xf32, #tpu.memory_space<vmem>>, vector<2000x128xf32>
    %get3A_2 = arith.constant 0 : index
    %get3A_3 = arith.constant 0 : index
    %get3A_4 = vector.load %arg2[%get3A_2, %get3A_3] : memref<128x128xf32, #tpu.memory_space<vmem>>, vector<128x128xf32>
    %dot_general3A = arith.constant dense<0.000000e+00> : vector<2000x128xf32>
    %dot_general3A_5 = tpu.matmul %get3A_1, %get3A_4, %dot_general3A {dimension_numbers = #tpu.dot_dimension_numbers<[1], [0], [0], [1], [0, 0, 1, 1], [], []>, precision = #tpu.contract_precision<fp32>, transpose_lhs_hint = false} : vector<2000x128xf32>, vector<128x128xf32>, vector<2000x128xf32> -> vector<2000x128xf32>
    %swap3A = arith.constant 0 : index
    %swap3A_6 = arith.constant 0 : index
    %swap3A_7 = vector.load %arg3[%swap3A, %swap3A_6] : memref<2000x128xf32, #tpu.memory_space<vmem>>, vector<2000x128xf32>
    tpu.vector_store %arg3[%swap3A, %swap3A_6], %dot_general3A_5 {strides = array<i32>} : memref<2000x128xf32, #tpu.memory_space<vmem>>, vector<2000x128xf32>,
    return
  }
  func.func @transform_0(%arg0: i32) -> (i32, i32) {
    %c0_i32 = arith.constant 0 : i32
    %c0_i32_0 = arith.constant 0 : i32
    return %arg0, %c0_i32 : i32, i32
  }
  func.func @transform_1(%arg0: i32) -> (i32, i32) {
    %c0_i32 = arith.constant 0 : i32
    %c0_i32_0 = arith.constant 0 : i32
    %c0_i32_1 = arith.constant 0 : i32
    return %c0_i32, %c0_i32_0 : i32, i32
  }
  func.func @transform_2(%arg0: i32) -> (i32, i32) {
    %c0_i32 = arith.constant 0 : i32
    %c0_i32_0 = arith.constant 0 : i32
    return %arg0, %c0_i32 : i32, i32
  }
}

module attributes {stable_mosaic.version = 14 : i64} {
  func.func @_scale_body(%arg0: i32, %arg1: memref<2000x128xf32, #tpu.memory_space<vmem>>, %arg2: memref<2000x1xf32, #tpu.memory_space<vmem>>, %arg3: memref<2000x128xf32, #tpu.memory_space<vmem>>) attributes {dimension_semantics = [#tpu.dimension_semantics<arbitrary>], iteration_bounds = array<i64: 5>, scalar_prefetch = 0 : i64, scratch_operands = 0 : i64, tpu.core_type = #tpu.core_type<tc>, window_params = [{transform_indices = @transform_0, window_bounds = array<i64: 2000, 128>}, {transform_indices = @transform_1, window_bounds = array<i64: 2000, 1>}, {transform_indices = @transform_2, window_bounds = array<i64: 2000, 128>}]} {
    %get3A = arith.constant 0 : index
    %get3A_0 = arith.constant 0 : index
    %get3A_1 = vector.load %arg2[%get3A, %get3A_0] : memref<2000x1xf32, #tpu.memory_space<vmem>>, vector<2000x1xf32>
    %add3A = arith.constant 1.000000e+00 : f32
    %add3A_2 = vector.broadcast %add3A : f32 to vector<2000x1xf32>
    %add3A_3 = arith.addf %get3A_1, %add3A_2 : vector<2000x1xf32>
    %max3A = arith.constant 1.000000e+00 : f32
    %max3A_4 = vector.broadcast %max3A : f32 to vector<2000x1xf32>
    %max3A_5 = arith.maximumf %add3A_3, %max3A_4 : vector<2000x1xf32>
    %rsqrt3A = math.rsqrt %max3A_5 : vector<2000x1xf32>
    %get3A_6 = arith.constant 0 : index
    %get3A_7 = arith.constant 0 : index
    %get3A_8 = vector.load %arg1[%get3A_6, %get3A_7] : memref<2000x128xf32, #tpu.memory_space<vmem>>, vector<2000x128xf32>
    %mul3A = vector.broadcast %rsqrt3A : vector<2000x1xf32> to vector<2000x128xf32>
    %mul3A_9 = arith.mulf %get3A_8, %mul3A : vector<2000x128xf32>
    %swap3A = arith.constant 0 : index
    %swap3A_10 = arith.constant 0 : index
    %swap3A_11 = vector.load %arg3[%swap3A, %swap3A_10] : memref<2000x128xf32, #tpu.memory_space<vmem>>, vector<2000x128xf32>
    tpu.vector_store %arg3[%swap3A, %swap3A_10], %mul3A_9 {strides = array<i32>} : memref<2000x128xf32, #tpu.memory_space<vmem>>, vector<2000x128xf32>,
    return
  }
  func.func @transform_0(%arg0: i32) -> (i32, i32) {
    %c0_i32 = arith.constant 0 : i32
    %c0_i32_0 = arith.constant 0 : i32
    return %arg0, %c0_i32 : i32, i32
  }
  func.func @transform_1(%arg0: i32) -> (i32, i32) {
    %c0_i32 = arith.constant 0 : i32
    %c0_i32_0 = arith.constant 0 : i32
    return %arg0, %c0_i32 : i32, i32
  }
  func.func @transform_2(%arg0: i32) -> (i32, i32) {
    %c0_i32 = arith.constant 0 : i32
    %c0_i32_0 = arith.constant 0 : i32
    return %arg0, %c0_i32 : i32, i32
  }
}

module attributes {stable_mosaic.version = 14 : i64} {
  func.func @_final_body(%arg0: i32, %arg1: memref<2000x128xf32, #tpu.memory_space<vmem>>, %arg2: memref<2000x128xf32, #tpu.memory_space<vmem>>, %arg3: memref<2x2000x128xf32, #tpu.memory_space<vmem>>, %arg4: memref<2000x1xf32, #tpu.memory_space<vmem>>, %arg5: memref<1x128xf32, #tpu.memory_space<vmem>>, %arg6: memref<128x256xf32, #tpu.memory_space<vmem>>, %arg7: memref<1x256xf32, #tpu.memory_space<vmem>>, %arg8: memref<256x128xf32, #tpu.memory_space<vmem>>, %arg9: memref<1x128xf32, #tpu.memory_space<vmem>>, %arg10: memref<1x128xf32, #tpu.memory_space<vmem>>, %arg11: memref<1x128xf32, #tpu.memory_space<vmem>>, %arg12: memref<1x128xf32, #tpu.memory_space<vmem>>, %arg13: memref<1x128xf32, #tpu.memory_space<vmem>>, %arg14: memref<2000x128xf32, #tpu.memory_space<vmem>>) attributes {dimension_semantics = [#tpu.dimension_semantics<arbitrary>], iteration_bounds = array<i64: 5>, scalar_prefetch = 0 : i64, scratch_operands = 0 : i64, tpu.core_type = #tpu.core_type<tc>, window_params = [{transform_indices = @transform_0, window_bounds = array<i64: 2000, 128>}, {transform_indices = @transform_1, window_bounds = array<i64: 2000, 128>}, {transform_indices = @transform_2, window_bounds = array<i64: 2, 2000, 128>}, {transform_indices = @transform_3, window_bounds = array<i64: 2000, 1>}, {pipeline_mode = #tpu.pipeline_mode<synchronous>, transform_indices = @transform_4, window_bounds = array<i64: 1, 128>}, {pipeline_mode = #tpu.pipeline_mode<synchronous>, transform_indices = @transform_5, window_bounds = array<i64: 128, 256>}, {pipeline_mode = #tpu.pipeline_mode<synchronous>, transform_indices = @transform_6, window_bounds = array<i64: 1, 256>}, {pipeline_mode = #tpu.pipeline_mode<synchronous>, transform_indices = @transform_7, window_bounds = array<i64: 256, 128>}, {pipeline_mode = #tpu.pipeline_mode<synchronous>, transform_indices = @transform_8, window_bounds = array<i64: 1, 128>}, {pipeline_mode = #tpu.pipeline_mode<synchronous>, transform_indices = @transform_9, window_bounds = array<i64: 1, 128>}, {pipeline_mode = #tpu.pipeline_mode<synchronous>, transform_indices = @transform_10, window_bounds = array<i64: 1, 128>}, {pipeline_mode = #tpu.pipeline_mode<synchronous>, transform_indices = @transform_11, window_bounds = array<i64: 1, 128>}, {pipeline_mode = #tpu.pipeline_mode<synchronous>, transform_indices = @transform_12, window_bounds = array<i64: 1, 128>}, {transform_indices = @transform_13, window_bounds = array<i64: 2000, 128>}]} {
    %get3A = arith.constant 0 : index
    %get3A_0 = arith.constant 0 : index
    %get3A_1 = vector.load %arg4[%get3A, %get3A_0] : memref<2000x1xf32, #tpu.memory_space<vmem>>, vector<2000x1xf32>
    %add3A = arith.constant 1.000000e+00 : f32
    %add3A_2 = vector.broadcast %add3A : f32 to vector<2000x1xf32>
    %add3A_3 = arith.addf %get3A_1, %add3A_2 : vector<2000x1xf32>
    %max3A = arith.constant 1.000000e+00 : f32
    %max3A_4 = vector.broadcast %max3A : f32 to vector<2000x1xf32>
    %max3A_5 = arith.maximumf %add3A_3, %max3A_4 : vector<2000x1xf32>
    %rsqrt3A = math.rsqrt %max3A_5 : vector<2000x1xf32>
    %get3A_6 = arith.constant 0 : index
    %get3A_7 = arith.constant 0 : index
    %get3A_8 = arith.constant 0 : index
    %get3A_9 = vector.load %arg3[%get3A_6, %get3A_7, %get3A_8] : memref<2x2000x128xf32, #tpu.memory_space<vmem>>, vector<1x2000x128xf32>
    %get3A_10 = vector.shape_cast %get3A_9 : vector<1x2000x128xf32> to vector<2000x128xf32>
    %get3A_11 = arith.constant 1 : index
    %get3A_12 = arith.constant 0 : index
    %get3A_13 = arith.constant 0 : index
    %get3A_14 = vector.load %arg3[%get3A_11, %get3A_12, %get3A_13] : memref<2x2000x128xf32, #tpu.memory_space<vmem>>, vector<1x2000x128xf32>
    %get3A_15 = vector.shape_cast %get3A_14 : vector<1x2000x128xf32> to vector<2000x128xf32>
    %add3A_16 = arith.addf %get3A_10, %get3A_15 : vector<2000x128xf32>
    %get3A_17 = arith.constant 0 : index
    %get3A_18 = arith.constant 0 : index
    %get3A_19 = vector.load %arg2[%get3A_17, %get3A_18] : memref<2000x128xf32, #tpu.memory_space<vmem>>, vector<2000x128xf32>
    %add3A_20 = arith.addf %add3A_16, %get3A_19 : vector<2000x128xf32>
    %mul3A = vector.broadcast %rsqrt3A : vector<2000x1xf32> to vector<2000x128xf32>
    %mul3A_21 = arith.mulf %add3A_20, %mul3A : vector<2000x128xf32>
    %get3A_22 = arith.constant 0 : index
    %get3A_23 = arith.constant 0 : index
    %get3A_24 = vector.load %arg5[%get3A_22, %get3A_23] : memref<1x128xf32, #tpu.memory_space<vmem>>, vector<1x128xf32>
    %add3A_25 = vector.broadcast %get3A_24 : vector<1x128xf32> to vector<2000x128xf32>
    %add3A_26 = arith.addf %mul3A_21, %add3A_25 : vector<2000x128xf32>
    %get3A_27 = arith.constant 0 : index
    %get3A_28 = arith.constant 0 : index
    %get3A_29 = vector.load %arg1[%get3A_27, %get3A_28] : memref<2000x128xf32, #tpu.memory_space<vmem>>, vector<2000x128xf32>
    %add3A_30 = arith.addf %get3A_29, %add3A_26 : vector<2000x128xf32>
    %reduce_sum3A = arith.constant dense<0.000000e+00> : vector<2000xf32>
    %reduce_sum3A_31 = vector.multi_reduction <add>, %add3A_30, %reduce_sum3A [1] : vector<2000x128xf32> to vector<2000xf32>
    %broadcast_in_dim3A = vector.shape_cast %reduce_sum3A_31 : vector<2000xf32> to vector<2000x1xf32>
    %div3A = arith.constant 1.280000e+02 : f32
    %div3A_32 = vector.broadcast %div3A : f32 to vector<2000x1xf32>
    %div3A_33 = arith.divf %broadcast_in_dim3A, %div3A_32 : vector<2000x1xf32>
    %sub3A = vector.broadcast %div3A_33 : vector<2000x1xf32> to vector<2000x128xf32>
    %sub3A_34 = arith.subf %add3A_30, %sub3A : vector<2000x128xf32>
    %square3A = arith.mulf %sub3A_34, %sub3A_34 : vector<2000x128xf32>
    %reduce_sum3A_35 = arith.constant dense<0.000000e+00> : vector<2000xf32>
    %reduce_sum3A_36 = vector.multi_reduction <add>, %square3A, %reduce_sum3A_35 [1] : vector<2000x128xf32> to vector<2000xf32>
    %broadcast_in_dim3A_37 = vector.shape_cast %reduce_sum3A_36 : vector<2000xf32> to vector<2000x1xf32>
    %div3A_38 = arith.constant 1.280000e+02 : f32
    %div3A_39 = vector.broadcast %div3A_38 : f32 to vector<2000x1xf32>
    %div3A_40 = arith.divf %broadcast_in_dim3A_37, %div3A_39 : vector<2000x1xf32>
    %sub3A_41 = vector.broadcast %div3A_33 : vector<2000x1xf32> to vector<2000x128xf32>
    %sub3A_42 = arith.subf %add3A_30, %sub3A_41 : vector<2000x128xf32>
    %add3A_43 = arith.constant 9.99999974E-6 : f32
    %add3A_44 = vector.broadcast %add3A_43 : f32 to vector<2000x1xf32>
    %add3A_45 = arith.addf %div3A_40, %add3A_44 : vector<2000x1xf32>
    %rsqrt3A_46 = math.rsqrt %add3A_45 : vector<2000x1xf32>
    %mul3A_47 = vector.broadcast %rsqrt3A_46 : vector<2000x1xf32> to vector<2000x128xf32>
    %mul3A_48 = arith.mulf %sub3A_42, %mul3A_47 : vector<2000x128xf32>
    %get3A_49 = arith.constant 0 : index
    %get3A_50 = arith.constant 0 : index
    %get3A_51 = vector.load %arg10[%get3A_49, %get3A_50] : memref<1x128xf32, #tpu.memory_space<vmem>>, vector<1x128xf32>
    %mul3A_52 = vector.broadcast %get3A_51 : vector<1x128xf32> to vector<2000x128xf32>
    %mul3A_53 = arith.mulf %mul3A_48, %mul3A_52 : vector<2000x128xf32>
    %get3A_54 = arith.constant 0 : index
    %get3A_55 = arith.constant 0 : index
    %get3A_56 = vector.load %arg11[%get3A_54, %get3A_55] : memref<1x128xf32, #tpu.memory_space<vmem>>, vector<1x128xf32>
    %add3A_57 = vector.broadcast %get3A_56 : vector<1x128xf32> to vector<2000x128xf32>
    %add3A_58 = arith.addf %mul3A_53, %add3A_57 : vector<2000x128xf32>
    %get3A_59 = arith.constant 0 : index
    %get3A_60 = arith.constant 0 : index
    %get3A_61 = vector.load %arg6[%get3A_59, %get3A_60] : memref<128x256xf32, #tpu.memory_space<vmem>>, vector<128x256xf32>
    %dot_general3A = arith.constant dense<0.000000e+00> : vector<2000x256xf32>
    %dot_general3A_62 = tpu.matmul %add3A_58, %get3A_61, %dot_general3A {dimension_numbers = #tpu.dot_dimension_numbers<[1], [0], [0], [1], [0, 0, 1, 1], [], []>, precision = #tpu.contract_precision<fp32>, transpose_lhs_hint = false} : vector<2000x128xf32>, vector<128x256xf32>, vector<2000x256xf32> -> vector<2000x256xf32>
    %get3A_63 = arith.constant 0 : index
    %get3A_64 = arith.constant 0 : index
    %get3A_65 = vector.load %arg7[%get3A_63, %get3A_64] : memref<1x256xf32, #tpu.memory_space<vmem>>, vector<1x256xf32>
    %add3A_66 = vector.broadcast %get3A_65 : vector<1x256xf32> to vector<2000x256xf32>
    %add3A_67 = arith.addf %dot_general3A_62, %add3A_66 : vector<2000x256xf32>
    %max3A_68 = arith.constant 0.000000e+00 : f32
    %max3A_69 = vector.broadcast %max3A_68 : f32 to vector<2000x256xf32>
    %max3A_70 = arith.maximumf %add3A_67, %max3A_69 : vector<2000x256xf32>
    %get3A_71 = arith.constant 0 : index
    %get3A_72 = arith.constant 0 : index
    %get3A_73 = vector.load %arg8[%get3A_71, %get3A_72] : memref<256x128xf32, #tpu.memory_space<vmem>>, vector<256x128xf32>
    %dot_general3A_74 = arith.constant dense<0.000000e+00> : vector<2000x128xf32>
    %dot_general3A_75 = tpu.matmul %max3A_70, %get3A_73, %dot_general3A_74 {dimension_numbers = #tpu.dot_dimension_numbers<[1], [0], [0], [1], [0, 0, 1, 1], [], []>, precision = #tpu.contract_precision<fp32>, transpose_lhs_hint = false} : vector<2000x256xf32>, vector<256x128xf32>, vector<2000x128xf32> -> vector<2000x128xf32>
    %add3A_76 = arith.addf %add3A_58, %dot_general3A_75 : vector<2000x128xf32>
    %get3A_77 = arith.constant 0 : index
    %get3A_78 = arith.constant 0 : index
    %get3A_79 = vector.load %arg9[%get3A_77, %get3A_78] : memref<1x128xf32, #tpu.memory_space<vmem>>, vector<1x128xf32>
    %add3A_80 = vector.broadcast %get3A_79 : vector<1x128xf32> to vector<2000x128xf32>
    %add3A_81 = arith.addf %add3A_76, %add3A_80 : vector<2000x128xf32>
    %reduce_sum3A_82 = arith.constant dense<0.000000e+00> : vector<2000xf32>
    %reduce_sum3A_83 = vector.multi_reduction <add>, %add3A_81, %reduce_sum3A_82 [1] : vector<2000x128xf32> to vector<2000xf32>
    %broadcast_in_dim3A_84 = vector.shape_cast %reduce_sum3A_83 : vector<2000xf32> to vector<2000x1xf32>
    %div3A_85 = arith.constant 1.280000e+02 : f32
    %div3A_86 = vector.broadcast %div3A_85 : f32 to vector<2000x1xf32>
    %div3A_87 = arith.divf %broadcast_in_dim3A_84, %div3A_86 : vector<2000x1xf32>
    %sub3A_88 = vector.broadcast %div3A_87 : vector<2000x1xf32> to vector<2000x128xf32>
    %sub3A_89 = arith.subf %add3A_81, %sub3A_88 : vector<2000x128xf32>
    %square3A_90 = arith.mulf %sub3A_89, %sub3A_89 : vector<2000x128xf32>
    %reduce_sum3A_91 = arith.constant dense<0.000000e+00> : vector<2000xf32>
    %reduce_sum3A_92 = vector.multi_reduction <add>, %square3A_90, %reduce_sum3A_91 [1] : vector<2000x128xf32> to vector<2000xf32>
    %broadcast_in_dim3A_93 = vector.shape_cast %reduce_sum3A_92 : vector<2000xf32> to vector<2000x1xf32>
    %div3A_94 = arith.constant 1.280000e+02 : f32
    %div3A_95 = vector.broadcast %div3A_94 : f32 to vector<2000x1xf32>
    %div3A_96 = arith.divf %broadcast_in_dim3A_93, %div3A_95 : vector<2000x1xf32>
    %sub3A_97 = vector.broadcast %div3A_87 : vector<2000x1xf32> to vector<2000x128xf32>
    %sub3A_98 = arith.subf %add3A_81, %sub3A_97 : vector<2000x128xf32>
    %add3A_99 = arith.constant 9.99999974E-6 : f32
    %add3A_100 = vector.broadcast %add3A_99 : f32 to vector<2000x1xf32>
    %add3A_101 = arith.addf %div3A_96, %add3A_100 : vector<2000x1xf32>
    %rsqrt3A_102 = math.rsqrt %add3A_101 : vector<2000x1xf32>
    %mul3A_103 = vector.broadcast %rsqrt3A_102 : vector<2000x1xf32> to vector<2000x128xf32>
    %mul3A_104 = arith.mulf %sub3A_98, %mul3A_103 : vector<2000x128xf32>
    %get3A_105 = arith.constant 0 : index
    %get3A_106 = arith.constant 0 : index
    %get3A_107 = vector.load %arg12[%get3A_105, %get3A_106] : memref<1x128xf32, #tpu.memory_space<vmem>>, vector<1x128xf32>
    %mul3A_108 = vector.broadcast %get3A_107 : vector<1x128xf32> to vector<2000x128xf32>
    %mul3A_109 = arith.mulf %mul3A_104, %mul3A_108 : vector<2000x128xf32>
    %get3A_110 = arith.constant 0 : index
    %get3A_111 = arith.constant 0 : index
    %get3A_112 = vector.load %arg13[%get3A_110, %get3A_111] : memref<1x128xf32, #tpu.memory_space<vmem>>, vector<1x128xf32>
    %add3A_113 = vector.broadcast %get3A_112 : vector<1x128xf32> to vector<2000x128xf32>
    %add3A_114 = arith.addf %mul3A_109, %add3A_113 : vector<2000x128xf32>
    %swap3A = arith.constant 0 : index
    %swap3A_115 = arith.constant 0 : index
    %swap3A_116 = vector.load %arg14[%swap3A, %swap3A_115] : memref<2000x128xf32, #tpu.memory_space<vmem>>, vector<2000x128xf32>
    tpu.vector_store %arg14[%swap3A, %swap3A_115], %add3A_114 {strides = array<i32>} : memref<2000x128xf32, #tpu.memory_space<vmem>>, vector<2000x128xf32>,
    return
  }
  func.func @transform_0(%arg0: i32) -> (i32, i32) {
    %c0_i32 = arith.constant 0 : i32
    %c0_i32_0 = arith.constant 0 : i32
    return %arg0, %c0_i32 : i32, i32
  }
  func.func @transform_1(%arg0: i32) -> (i32, i32) {
    %c0_i32 = arith.constant 0 : i32
    %c0_i32_0 = arith.constant 0 : i32
    return %arg0, %c0_i32 : i32, i32
  }
  func.func @transform_2(%arg0: i32) -> (i32, i32, i32) {
    %c0_i32 = arith.constant 0 : i32
    %c0_i32_0 = arith.constant 0 : i32
    %c0_i32_1 = arith.constant 0 : i32
    return %c0_i32, %arg0, %c0_i32_0 : i32, i32, i32
  }
  func.func @transform_3(%arg0: i32) -> (i32, i32) {
    %c0_i32 = arith.constant 0 : i32
    %c0_i32_0 = arith.constant 0 : i32
    return %arg0, %c0_i32 : i32, i32
  }
  func.func @transform_4(%arg0: i32) -> (i32, i32) {
    %c0_i32 = arith.constant 0 : i32
    %c0_i32_0 = arith.constant 0 : i32
    %c0_i32_1 = arith.constant 0 : i32
    return %c0_i32, %c0_i32_0 : i32, i32
  }
  func.func @transform_5(%arg0: i32) -> (i32, i32) {
    %c0_i32 = arith.constant 0 : i32
    %c0_i32_0 = arith.constant 0 : i32
    %c0_i32_1 = arith.constant 0 : i32
    return %c0_i32, %c0_i32_0 : i32, i32
  }
  func.func @transform_6(%arg0: i32) -> (i32, i32) {
    %c0_i32 = arith.constant 0 : i32
    %c0_i32_0 = arith.constant 0 : i32
    %c0_i32_1 = arith.constant 0 : i32
    return %c0_i32, %c0_i32_0 : i32, i32
  }
  func.func @transform_7(%arg0: i32) -> (i32, i32) {
    %c0_i32 = arith.constant 0 : i32
    %c0_i32_0 = arith.constant 0 : i32
    %c0_i32_1 = arith.constant 0 : i32
    return %c0_i32, %c0_i32_0 : i32, i32
  }
  func.func @transform_8(%arg0: i32) -> (i32, i32) {
    %c0_i32 = arith.constant 0 : i32
    %c0_i32_0 = arith.constant 0 : i32
    %c0_i32_1 = arith.constant 0 : i32
    return %c0_i32, %c0_i32_0 : i32, i32
  }
  func.func @transform_9(%arg0: i32) -> (i32, i32) {
    %c0_i32 = arith.constant 0 : i32
    %c0_i32_0 = arith.constant 0 : i32
    %c0_i32_1 = arith.constant 0 : i32
    return %c0_i32, %c0_i32_0 : i32, i32
  }
  func.func @transform_10(%arg0: i32) -> (i32, i32) {
    %c0_i32 = arith.constant 0 : i32
    %c0_i32_0 = arith.constant 0 : i32
    %c0_i32_1 = arith.constant 0 : i32
    return %c0_i32, %c0_i32_0 : i32, i32
  }
  func.func @transform_11(%arg0: i32) -> (i32, i32) {
    %c0_i32 = arith.constant 0 : i32
    %c0_i32_0 = arith.constant 0 : i32
    %c0_i32_1 = arith.constant 0 : i32
    return %c0_i32, %c0_i32_0 : i32, i32
  }
  func.func @transform_12(%arg0: i32) -> (i32, i32) {
    %c0_i32 = arith.constant 0 : i32
    %c0_i32_0 = arith.constant 0 : i32
    %c0_i32_1 = arith.constant 0 : i32
    return %c0_i32, %c0_i32_0 : i32, i32
  }
  func.func @transform_13(%arg0: i32) -> (i32, i32) {
    %c0_i32 = arith.constant 0 : i32
    %c0_i32_0 = arith.constant 0 : i32
    return %arg0, %c0_i32 : i32, i32
  }
}

</mosaic_0001>

<sc_bundles>
// kernel: kernel.10.cloned.1.call-start
scs
__scs_entry_jumppad:
0x0: {  	(pc) =	sbr.rel $0x88, $3  }
0x1: {  	(tag) =	ssettag $0x0;
	lr =	simm.s32 $0x1  }
0x2: {  	[smem:$0x3F95] =	sst lr;
	_ =	strace $0xD0000000  }
0x3: {  	_ = 	snop  }
0x4: {  	_ = 	snop  }
0x5: {  	_ = 	snop  }
0x6: {  	_ = 	snop  }
0x7: {  	_ = 	snop  }
__scs_overlays_trampoline_lowered:
0x8: {  	[smem:$0x3FA4] =	sst s0  }
0x9: {  	[smem:$0x3FA5] =	sst s1  }
0xa: {  	[smem:$0x3FA6] =	sst s2  }
0xb: {  	[smem:$0x3FA7] =	sst s3  }
0xc: {  	[smem:$0x3FA8] =	sst s4  }
0xd: {  	[smem:$0x3FA9] =	sst s5  }
0xe: {  	[smem:$0x3FAA] =	sst s6  }
0xf: {  	[smem:$0x3FAB] =	sst s7  }
0x10: {  	[smem:$0x3FAC] =	sst s8  }
0x11: {  	[smem:$0x3FAD] =	sst s9;
	s0 =	simm.s32 @!p0 $0x0  }
0x12: {  	s1 =	sld [smem:$0x3F93];
	s0 =	simm.s32 @p0 $0x1  }
0x13: {  	[smem:$0x3FAE] =	sst s0;
	s0 =	simm.s32 @!p1 $0x0  }
0x14: {  	s2 =	sld [smem:$0x3F92];
	s0 =	simm.s32 @p1 $0x1  }
0x15: {  	[smem:$0x3FAF] =	sst s0;
	s0 =	simm.s32 @!p2 $0x0  }
0x16: {  	s3 =	sld [smem:$0x3FDB];
	s0 =	simm.s32 @p2 $0x1  }
0x17: {  	s4 =	simm.s32 $0x1BF5;
	[smem:$0x3FB1] =	sst s0  }
0x18: {  	s0 =	sld [smem:$0x3F94];
	_ =	swait.ge [sflag:s4], $0x0  }
0x19: {  	s7 =	sld [smem:$0x3F95]  }
0x1a: {  	s8 =	sadd.s32 $0xFFFFE003, lr  }
0x1b: {  	s9 =	sadd.s32 $0xFFFFFEF7, lr;
	s5 =	simm.s32 $0xFFFFFFFF;
	p2 =	slt.u32 s8, $0xFFFFF086  }
0x1c: {  	p1 =	slt.u32 s9, $0xF7A;
	s5 =	simm.s32 @!p2 $0x0  }
0x1d: {  	s5 =	simm.s32 @p1 $0x1;
	p0 =	seq.s32 s7, s2  }
0x1e: {  	s7 =	smul.u32 @!p0 $0xF7A, s2;
	p2 =	seq.s32 @!p0 s5, $0x0  }
0x1f: {  	s9 =	smul.u32 $0xF7A, s1;
	s8 =	simm.s32 @!p0 $0x1BF5;
	p2 =	por !p2, p0  }
0x20: {  	[sflag:s8] =	ssyncset.s32 @!p0 $0xFFFFF086;
	s6 =	sadd.s32 @!p0 s3, s7;
	s7 =	simm.s32 @!p0 $0x108  }
0x21: {  	s3 =	sadd.s32 s3, s9;
	s6 =	sadd.s32 @!p0 $0x88, s6;
	s7 =	simm.s32 @p2 $0x1082  }
0x22: {  	[simem:s7], [sflag:s8] =	dma.local @!p0 [hbm:s6], $0xF7A  }
0x23: {  	s9 =	sor.u32 $0xD0000000, s2;
	s6 =	simm.s32 $0x108;
	_ =	swait.ge @!p0 [sflag:s8], $0x0  }
0x24: {  	s3 =	sadd.s32 $0x88, s3;
	s6 =	simm.s32 @!p1 $0x1082;
	[sflag:s4] =	ssyncset.s32 $0xFFFFF086  }
0x25: {  	[simem:s6], [sflag:s4] =	dma.local [hbm:s3], $0xF7A  }
0x26: {  	[smem:$0x3F95] =	sst s1;
	(tag) =	ssettag s2;
	_ =	strace s9  }
0x27: {  	s1 =	sld [smem:$0x3FA5]  }
0x28: {  	s2 =	sld [smem:$0x3FA6]  }
0x29: {  	s4 =	sld [smem:$0x3FA8]  }
0x2a: {  	p0 =	seq.s32 s5, $0x0;
	s5 =	sld [smem:$0x3FA9]  }
0x2b: {  	s6 =	sld [smem:$0x3FAA]  }
0x2c: {  	s7 =	sld [smem:$0x3FAB]  }
0x2d: {  	s3 =	simm.s32 $0x108;
	s8 =	sld [smem:$0x3FAC]  }
0x2e: {  	s3 =	simm.s32 @!p0 $0x1082;
	s9 =	sld [smem:$0x3FAD]  }
0x2f: {  	lr =	sadd.s32 s0, s3;
	s0 =	sld [smem:$0x3FA4]  }
0x30: {  	s3 =	sld [smem:$0x3FA7]  }
0x31: {  	[smem:$0x3FB0] =	sst s10  }
0x32: {  	s10 =	sld [smem:$0x3FAE];
	_ =	sdelay $0x3  }
0x33: {  	p0 =	seq.s32 s10, $0x1;
	s10 =	sld [smem:$0x3FB0];
	_ =	sdelay $0x3  }
0x34: {  	[smem:$0x3FB0] =	sst s10  }
0x35: {  	s10 =	sld [smem:$0x3FAF];
	_ =	sdelay $0x3  }
0x36: {  	p1 =	seq.s32 s10, $0x1;
	s10 =	sld [smem:$0x3FB0];
	_ =	sdelay $0x3  }
0x37: {  	[smem:$0x3FB0] =	sst s10  }
0x38: {  	s10 =	sld [smem:$0x3FB1]  }
0x39: {  	_ = 	snop;
	(pc) =	sbr.ind lr, $3  }
0x3a: {  	_ = 	snop  }
0x3b: {  	_ = 	snop  }
0x3c: {  	p2 =	seq.s32 s10, $0x1;
	s10 =	sld [smem:$0x3FB0]  }
0x3d: {  	_ =	shalt  }
0x3e: {  	_ =	shalt  }
0x3f: {  	_ =	shalt  }
0x40: {  	_ =	shalt  }
0x41: {  	_ =	shalt  }
0x42: {  	_ =	shalt  }
0x43: {  	_ =	shalt  }
0x44: {  	_ =	shalt  }
0x45: {  	_ =	shalt  }
0x46: {  	_ =	shalt  }
0x47: {  	_ =	shalt  }
0x48: {  	_ =	shalt  }
0x49: {  	_ =	shalt  }
0x4a: {  	_ =	shalt  }
0x4b: {  	_ =	shalt  }
0x4c: {  	_ =	shalt  }
0x4d: {  	_ =	shalt  }
0x4e: {  	_ =	shalt  }
0x4f: {  	_ =	shalt  }
0x50: {  	_ =	shalt  }
0x51: {  	_ =	shalt  }
0x52: {  	_ =	shalt  }
0x53: {  	_ =	shalt  }
0x54: {  	_ =	shalt  }
0x55: {  	_ =	shalt  }
0x56: {  	_ =	shalt  }
0x57: {  	_ =	shalt  }
0x58: {  	_ =	shalt  }
0x59: {  	_ =	shalt  }
0x5a: {  	_ =	shalt  }
0x5b: {  	_ =	shalt  }
0x5c: {  	_ =	shalt  }
0x5d: {  	_ =	shalt  }
0x5e: {  	_ =	shalt  }
0x5f: {  	_ =	shalt  }
0x60: {  	_ =	shalt  }
0x61: {  	_ =	shalt  }
0x62: {  	_ =	shalt  }
0x63: {  	_ =	shalt  }
0x64: {  	_ =	shalt  }
0x65: {  	_ =	shalt  }
0x66: {  	_ =	shalt  }
0x67: {  	_ =	shalt  }
0x68: {  	_ =	shalt  }
0x69: {  	_ =	shalt  }
0x6a: {  	_ =	shalt  }
0x6b: {  	_ =	shalt  }
0x6c: {  	_ =	shalt  }
0x6d: {  	_ =	shalt  }
0x6e: {  	_ =	shalt  }
0x6f: {  	_ =	shalt  }
0x70: {  	_ =	shalt  }
0x71: {  	_ =	shalt  }
0x72: {  	_ =	shalt  }
0x73: {  	_ =	shalt  }
0x74: {  	_ =	shalt  }
0x75: {  	_ =	shalt  }
0x76: {  	_ =	shalt  }
0x77: {  	_ =	shalt  }
0x78: {  	_ =	shalt  }
0x79: {  	_ =	shalt  }
0x7a: {  	_ =	shalt  }
0x7b: {  	_ =	shalt  }
0x7c: {  	_ =	shalt  }
0x7d: {  	_ =	shalt  }
0x7e: {  	_ =	shalt  }
0x7f: {  	_ =	shalt  }
0x80: {  	_ =	shalt  }
0x81: {  	_ =	shalt  }
0x82: {  	_ =	shalt  }
0x83: {  	_ =	shalt  }
0x84: {  	_ =	shalt  }
0x85: {  	_ =	shalt  }
0x86: {  	_ =	shalt  }
0x87: {  	_ =	shalt  }
.Lfunc_end0:
.L_simem_size_0:
called_computation.1_lowered:
.L_overlay_start_0:
0x88: {  	s2 =	sld [smem:$0x3FD9]  }
0x89: {  	s3 =	sld [smem:$0x3FFE];
	_ =	sdelay $0x1  }
0x8a: {  	s1 =	srdreg.scid  }
0x8b: {  	s0 =	sand.u32 $0x1, s1  }
0x8c: {  	s17 =	sshll.u32 s0, $0xA;
	s2 =	sadd.s32 s3, s2  }
0x8d: {  	s2 =	sadd.s32 s2, s17  }
0x8e: {  	[smem:$0x3FBC] =	sst s2  }
0x8f: {  	_ = 	snop  }
0x90: {  	s2 =	sld [smem:$0x3FD0];
	(tm) =	ssettm $0x1  }
0x91: {  	s18 =	sld [smem:$0x3FFB];
	_ =	sdelay $0x3  }
0x92: {  	_ =	strace s18  }
0x93: {  	s3 =	sld [smem:$0x3FFC];
	_ =	sdelay $0x3  }
0x94: {  	_ =	strace s3  }
0x95: {  	s3 =	sld [smem:$0x3FFD];
	_ =	sdelay $0x3  }
0x96: {  	_ =	strace s3  }
0x97: {  	_ =	strace $0x8FFFFFFF  }
0x98: {  	s19 =	sld [smem:$0x3FDB];
	_ =	sdelay $0x1  }
0x99: {  	s4 =	simm.s32 $_scs_section_size  }
0x9a: {  	s5 =	simm.s32 $_size__tile_overlayer_lowered;
	s6 =	simm.s32 $_tile_overlayer_lowered  }
0x9b: {  	s22 =	simm.s32 $0x1BFF;
	s21 =	sshll.u32 s6, $0x1;
	s3 =	sadd.s32 s4, s19  }
0x9c: {  	s7 =	simm.s32 $0x0;
	s20 =	sshll.u32 s5, $0x1;
	s5 =	sadd.s32 s21, s3  }
0x9d: {  	[timem:s7], [sflag:s22] =	dma.local [hbm:s5], s20  }
0x9e: {  	_ =	swait.ge [sflag:s22], s20  }
0x9f: {  	s4 =	ssub.s32 $0x0, s20;
	[sflag:s22] =	ssyncset.done $0x0  }
0xa0: {  	[sflag:s22] =	ssyncadd.s32 s4;
	_ =	sdelay $0x1  }
0xa1: {  	s23 =	simm.s32 $0x1B8B  }
0xa2: {  	_ =	swait.ge [sflag:s23], $0x1  }
0xa3: {  	[sflag:s23] =	ssyncset.done $0x0  }
0xa4: {  	s25 =	simm.s32 $0x1B8E;
	s24 =	sld [smem:$0x3FFE];
	[sflag:s23] =	ssyncadd.s32 $0xFFFFFFFF  }
0xa5: {  	s26 =	simm.s32 $execute0_lowered;
	[smem:$0x3FD2] =	sst s25  }
0xa6: {  	s5 =	sshll.u32 s26, $0x1;
	_ =	strace $0x80000049;
	[dreg:$0x1] =	wrdreg $0xFFFFFFFF  }
0xa7: {  	s28 =	simm.s32 $_size_execute0_lowered;
	s3 =	sadd.s32 s3, s5;
	[dreg:$0x0] =	wrdreg $0x0  }
0xa8: {  	s5 =	sshll.u32 s28, $0x1;
	[dreg:$0x2] =	wrdreg s3  }
0xa9: {  	[dreg:$0x3] =	wrdreg s5  }
0xaa: {  	[dreg:$0x4] =	wrdreg $0xC0  }
0xab: {  	_ =	task [dreg:s7], $0x5FFFF  }
0xac: {  	[dreg:$0x1] =	wrdreg $0xFFFFFFFF  }
0xad: {  	[dreg:$0x0] =	wrdreg $0x60  }
0xae: {  	[dreg:$0x2] =	wrdreg s2  }
0xaf: {  	[dreg:$0x3] =	wrdreg s24  }
0xb0: {  	[dreg:$0x4] =	wrdreg $0x83000  }
0xb1: {  	[dreg:$0x5] =	wrdreg $0x9  }
0xb2: {  	_ =	task.clear_ibuf [dreg:s7], $0x6FFFF;
	_ =	strace $0x90000049  }
0xb3: {  	s29 =	simm.s32 $0x9;
	_ =	strace $0x8000004B  }
0xb4: {  	_ =	swait.ge [sflag:s29], $0x1  }
0xb5: {  	[sflag:s29] =	ssyncadd.s32 $0xFFFFFFFF  }
0xb6: {  	_ =	strace $0x9000004B  }
0xb7: {  	_ =	sfence  }
0xb8: {  	s30 =	sld [smem:$0x0];
	_ =	sdelay $0x2  }
0xb9: {  	s31 =	sshll.u32 s1, $0xD;
	s1 =	sshrl.u32 s1, $0x2  }
0xba: {  	s3 =	sand.u32 $0x4000, s31;
	s1 =	sadd.s32 s1, s30  }
0xbb: {  	s0 =	sor.u32 s3, s0;
	s1 =	sshll.u32 s1, $0x11  }
0xbc: {  	s0 =	sor.u32 s1, s0  }
0xbd: {  	s0 =	sadd.s32 $0x8F2B, s0  }
0xbe: {  	[sflag:s0] =	ssyncadd.remote.s32 $0x1  }
0xbf: {  	_ =	sfence.sel $0xFFFF  }
0xc0: {  	[dreg:$0x0] =	wrdreg $0xFFFFFFFF;
	(pc) =	sbr.abs _section_cstart, $3  }
0xc1: {  	[dreg:$0x1] =	wrdreg $0xFFFFFFFF  }
0xc2: {  	_ =	task.clear_ibuf [dreg:s7], $0x2FFFF;
	_ =	strace $0x9FFFFFFF  }
0xc3: {  	(tm) =	ssettm $0x7FFFFFFF  }
tec
execute0_lowered:
.L_overlay_start_1:
0x0: {  	(tag) =	ssettag $0x1  }
0x1: {  	s1 =	rddreg [dreg:$0x0]  }
0x2: {  	s0 =	rddreg [dreg:$0x1]  }
0x3: {  	s2 =	rddreg [dreg:$0x2]  }
0x4: {  	s3 =	simm.s32 $0x0;
	s4 =	srdreg.scid;
	s16 =	stileid.u32  }
0x5: {  	s18 =	simm.s32 $0x80;
	s20 =	simm.s32 $0x1;
	s21 =	simm.s32 $0x300  }
0x6: {  	s22 =	simm.s32 $0x4;
	s23 =	simm.s32 $0x4300;
	s24 =	simm.s32 $0x3  }
0x7: {  	s25 =	simm.s32 $0x6;
	s26 =	simm.s32 $0x0;
	[smem:$0x7FF] =	sst s3  }
0x8: {  	s13 =	sand.u32 $0x1, s4;
	s14 =	sadd.s32 $0x2000, s0;
	s15 =	sadd.s32 $0xBE00, s0  }
0x9: {  	s28 =	sadd.s32 $0x15C00, s0;
	p0 =	sne.s32 s16, $0x0;
	_ =	strace $0x8000004A  }
0xa: {  	s6 =	smul.u32 $0x27100, s13;
	s7 =	ssub.s32 $0x2, s13;
	s5 =	sshll.u32 s13, $0x4  }
0xb: {  	[dreg:$0x4] =	wrdreg s28;
	s31 =	sshll.u32 s13, $0x8;
	s13 =	sshll.u32 s16, $0x4  }
0xc: {  	s8 =	sshrl.u32 s7, $0x1;
	s5 =	sor.u32 s16, s5;
	s16 =	sshrl.u32 @!p0 s2, $0x3  }
.Ltmp0:
0xd: {  	s0 =	sadd.s32 s6, s0;
	s29 =	sshll.u32 s5, $0x4;
	(pc) =	sbr.rel .LBB2_1-.Ltmp0, $4  }
0xe: {  	s12 =	ssub.s32 s7, s8;
	s10 =	ssub.s32 $0x9C4, s5;
	s30 =	sadd.s32 s14, s29  }
0xf: {  	s7 =	sadd.s32 s15, s29;
	s9 =	sor.u32 $0x200, s29;
	s11 =	sadd.s32 $0x3CE00, s0  }
0x10: {  	s12 =	smax.u32 s12, $0x1;
	[dreg:$0x5] =	wrdreg s30;
	s8 =	sadd.s32 s14, s9  }
0x11: {  	s9 =	sadd.s32 s15, s9;
	s14 =	sadd.s32 s31, s14;
	s15 =	sadd.s32 s31, s15  }
.LBB2_7:
0x12: {  	_ =	swait.ge [sflag:s24], $0x4000  }
0x13: {  	[sflag:s24] =	ssyncset.done $0x0  }
0x14: {  	[sflag:s24] =	ssyncadd.s32 $0xFFFFC000  }
0x15: {  	_ =	swait.ge [sflag:s25], $0x4000  }
0x16: {  	[sflag:s25] =	ssyncset.done $0x0  }
0x17: {  	s26 =	sadd.s32 $0x1, s26;
	[sflag:s25] =	ssyncadd.s32 $0xFFFFC000  }
0x18: {  	s0 =	simm.s32 @!p0 $0x1C07;
	p1 =	sne.s32 s26, s12;
	[bflag:$0x0] =	sbarrier.arrive $0xFFFF  }
0x19: {  	[hbm:s11], [sflag:s0] =	dma.local @!p0 [spmem:s16], $0x27100  }
.Ltmp1:
0x1a: {  	_ = 	snop;
	(pc) =	sbr.rel @!p1 .LBB2_8-.Ltmp1, $4  }
0x1b: {  	s0 =	simm.s32 @!p0 $0x7  }
0x1c: {  	_ =	swait.ge @!p0 [sflag:s0], $0x27100  }
0x1d: {  	[sflag:s0] =	ssyncset.done @!p0 $0x0  }
0x1e: {  	[sflag:s0] =	ssyncadd.s32 @!p0 $0xFFFD8F00  }
.LBB2_1:
0x1f: {  	s0 =	simm.s32 @!p0 $0x1C07;
	s4 =	rddreg [dreg:$0x4]  }
0x20: {  	[spmem:s16], [sflag:s0] =	dma.local @!p0 [hbm:s4], $0x27100  }
0x21: {  	s0 =	simm.s32 @!p0 $0x7  }
0x22: {  	_ =	swait.ge @!p0 [sflag:s0], $0x27100  }
0x23: {  	[sflag:s0] =	ssyncset.done @!p0 $0x0  }
0x24: {  	[sflag:s0] =	ssyncadd.s32 @!p0 $0xFFFD8F00  }
0x25: {  	[bflag:$0x0] =	sbarrier.arrive $0xFFFF  }
0x26: {  	s6 =	rddreg [dreg:$0x5]  }
0x27: {  	[tilespmem:s3], [sflag:$0x1] =	stream.linear.gather [hbm4b:s6+s3], $0x80, $0x38;
	[tilespmem:$0x1BB80] =	vst v63  }
0x28: {  	s17 =	simm.s32 $0x100  }
0x29: {  	[tilespmem:s17], [sflag:$0x1] =	stream.linear.gather [hbm4b:s7+s3], $0x80, $0x38;
	[tilespmem:$0x1BB80] =	vst v63  }
.Ltmp2:
0x2a: {  	_ = 	snop;
	(pc) =	sbr.rel .LBB2_2-.Ltmp2, $4  }
0x2b: {  	s19 =	simm.s32 $0x180;
	s28 =	simm.s32 $0x1;
	s29 =	smov.u32 s15  }
0x2c: {  	[tilespmem:s18], [sflag:$0x4] =	stream.linear.gather [hbm4b:s8+s3], $0x80, $0x38;
	[tilespmem:$0x1BB80] =	vst v63  }
0x2d: {  	s30 =	smov.u32 s14;
	s31 =	simm.s32 $0x0;
	s0 =	simm.s32 $0x0  }
0x2e: {  	[tilespmem:s19], [sflag:$0x4] =	stream.linear.gather [hbm4b:s9+s3], $0x80, $0x38;
	[tilespmem:$0x1BB80] =	vst v63  }
.LBB2_6:
0x2f: {  	s31 =	sadd.s32 $0x40, s31  }
0x30: {  	p1 =	sne.s32 s31, $0xA00  }
.Ltmp3:
0x31: {  	_ = 	snop;
	(pc) =	sbr.rel @!p1 .LBB2_7-.Ltmp3, $3  }
0x32: {  	_ =	sdelay $0x1  }
0x33: {  	s0 =	sadd.s32 $0x1, s0  }
0x34: {  	s30 =	sadd.s32 $0x400, s30;
	s29 =	sadd.s32 $0x400, s29;
	s28 =	sadd.s32 $0x2, s28  }
.LBB2_2:
0x35: {  	p1 =	sge.u32 s31, s10  }
.Ltmp4:
0x36: {  	_ = 	snop;
	(pc) =	sbr.rel @p1 .LBB2_4-.Ltmp4, $1  }
0x37: {  	_ =	sdelay $0x3  }
0x38: {  	_ =	swait.ge [sflag:s20], $0x80  }
0x39: {  	s17 =	sand.u32 $0x1, s0;
	[sflag:s20] =	ssyncset.done $0x0  }
0x3a: {  	p1 =	seq.s32 s17, $0x1;
	[sflag:s20] =	ssyncadd.s32 $0xFFFFFF80  }
0x3b: {  	s19 =	sadd.s32 @p1 s31, s5;
	_ =	swait.ge [sflag:s20], $0x80  }
0x3c: {  	s19 =	sadd.s32 @p1 $0x40, s19;
	[sflag:s20] =	ssyncset.done $0x0  }
0x3d: {  	s17 =	simm.s32 @p1 $0x3;
	p3 =	sgt.u32 @p1 s19, $0x9C3;
	[sflag:s20] =	ssyncadd.s32 $0xFFFFFF80  }
0x3e: {  	p2 =	por !p3, !p1;
	_ =	swait.ge @p1 [sflag:s17], $0x4000  }
0x3f: {  	s19 =	simm.s32 @!p2 $0x0;
	[sflag:s17] =	ssyncset.done @p1 $0x0  }
0x40: {  	s4 =	simm.s32 @!p2 $0x300;
	[sflag:s17] =	ssyncadd.s32 @p1 $0xFFFFC000;
	s17 =	simm.s32 @!p2 $0x80  }
0x41: {  	[tilespmem:s4], [sflag:$0x2] =	stream.indirect.gather @!p2 [hbm4b:s1+s17], $0x80, s19, s17, $0xb8;
	[tilespmem:$0x1BB80] =	vst v63  }
0x42: {  	s4 =	simm.s32 @!p2 $0x2  }
0x43: {  	_ =	swait.ge @!p2 [sflag:s4], $0x4000  }
0x44: {  	p3 =	por p3, !p1;
	[sflag:s4] =	ssyncset.done @!p2 $0x0  }
0x45: {  	[sflag:s4] =	ssyncadd.s32 @!p2 $0xFFFFC000;
	s4 =	sadd.s32 @!p3 s29, s13  }
0x46: {  	s17 =	simm.s32 @!p3 $0x0;
	s19 =	simm.s32 @!p3 $0x100;
	s4 =	sadd.s32 @!p3 $0x400, s4  }
0x47: {  	[tilespmem:s19], [sflag:$0x1] =	stream.linear.gather @!p3 [hbm4b:s4+s17], $0x80, $0x38;
	[tilespmem:$0x1BB80] =	vst v63  }
0x48: {  	s4 =	simm.s32 @!p3 $0x80;
	s19 =	simm.s32 @!p3 $0x300  }
0x49: {  	[tilespmem:s19], [sflag:$0x2] =	stream.indirect.gather @!p3 [hbm4b:s1+s4], $0x80, s17, s4, $0xb8;
	[tilespmem:$0x1BB80] =	vst v63  }
0x4a: {  	s4 =	simm.s32 @!p3 $0x2  }
0x4b: {  	_ =	swait.ge @!p3 [sflag:s4], $0x4000  }
0x4c: {  	s19 =	sadd.s32 @!p3 s30, s13;
	[sflag:s4] =	ssyncset.done @!p3 $0x0  }
0x4d: {  	[sflag:s4] =	ssyncadd.s32 @!p3 $0xFFFFC000;
	s4 =	sadd.s32 @!p3 $0x400, s19  }
0x4e: {  	[tilespmem:s17], [sflag:$0x1] =	stream.linear.gather @!p3 [hbm4b:s4+s17], $0x80, $0x38;
	[tilespmem:$0x1BB80] =	vst v63  }
0x4f: {  	p3 =	seq.s32 @!p1 s31, $0x0  }
0x50: {  	p3 =	por p3, p1  }
0x51: {  	s17 =	sadd.s32 @!p1 s31, s5;
	s4 =	simm.s32 @!p3 $0x3  }
0x52: {  	s17 =	sadd.s32 @!p1 $0x40, s17;
	_ =	swait.ge @!p3 [sflag:s4], $0x4000  }
0x53: {  	p4 =	sgt.u32 @!p1 s17, $0x9C3;
	[sflag:s4] =	ssyncset.done @!p3 $0x0  }
0x54: {  	[sflag:s4] =	ssyncadd.s32 @!p3 $0xFFFFC000;
	p3 =	por !p4, p1  }
0x55: {  	s4 =	simm.s32 @!p3 $0x80;
	s17 =	simm.s32 @!p3 $0x0;
	s19 =	simm.s32 @!p3 $0x300  }
0x56: {  	[tilespmem:s19], [sflag:$0x2] =	stream.indirect.gather @!p3 [hbm4b:s1+s4], $0x80, s17, s4, $0xb8;
	[tilespmem:$0x1BB80] =	vst v63  }
0x57: {  	s4 =	simm.s32 @!p3 $0x2  }
0x58: {  	_ =	swait.ge @!p3 [sflag:s4], $0x4000  }
0x59: {  	p4 =	por p4, p1;
	[sflag:s4] =	ssyncset.done @!p3 $0x0  }
0x5a: {  	[sflag:s4] =	ssyncadd.s32 @!p3 $0xFFFFC000;
	s4 =	sadd.s32 @!p4 s29, s13  }
0x5b: {  	s17 =	simm.s32 @!p4 $0x0;
	s19 =	simm.s32 @!p4 $0x200;
	s4 =	sadd.s32 @!p4 $0x400, s4  }
0x5c: {  	[tilespmem:s19], [sflag:$0x1] =	stream.linear.gather @!p4 [hbm4b:s4+s17], $0x80, $0x38;
	[tilespmem:$0x1BB80] =	vst v63  }
0x5d: {  	s4 =	simm.s32 @!p4 $0x80;
	s19 =	simm.s32 @!p4 $0x300  }
0x5e: {  	[tilespmem:s19], [sflag:$0x2] =	stream.indirect.gather @!p4 [hbm4b:s1+s4], $0x80, s17, s4, $0xb8;
	[tilespmem:$0x1BB80] =	vst v63  }
0x5f: {  	s4 =	simm.s32 @!p4 $0x2  }
0x60: {  	_ =	swait.ge @!p4 [sflag:s4], $0x4000  }
0x61: {  	s19 =	sadd.s32 @!p4 s30, s13;
	[sflag:s4] =	ssyncset.done @!p4 $0x0  }
0x62: {  	[sflag:s4] =	ssyncadd.s32 @!p4 $0xFFFFC000;
	s4 =	sadd.s32 @!p4 $0x400, s19  }
0x63: {  	[tilespmem:s17], [sflag:$0x1] =	stream.linear.gather @!p4 [hbm4b:s4+s17], $0x80, $0x38;
	[tilespmem:$0x1BB80] =	vst v63  }
0x64: {  	s4 =	simm.s32 @!p2 $0x200;
	s17 =	simm.s32 @!p3 $0x100  }
0x65: {  	s4 =	simm.s32 @p2 $0x200;
	s17 =	simm.s32 @p3 $0x100  }
0x66: {  	s17 =	smov.u32 @p1 s4  }
0x67: {  	[spmem:s2] =	stream.indirect.scatter.add.f32 [tilespmem:s21], [sflag:$0x3], $0x80, s17, s18, $0xb8;
	[tilespmem:$0x1BB80] =	vst v63  }
.LBB2_4:
0x68: {  	s4 =	sadd.s32 $0x20, s31  }
0x69: {  	p1 =	sge.u32 s4, s10  }
.Ltmp5:
0x6a: {  	_ = 	snop;
	(pc) =	sbr.rel @p1 .LBB2_6-.Ltmp5, $1  }
0x6b: {  	_ =	sdelay $0x3  }
0x6c: {  	_ =	swait.ge [sflag:s22], $0x80  }
0x6d: {  	s4 =	sand.u32 $0x3, s28;
	[sflag:s22] =	ssyncset.done $0x0  }
0x6e: {  	p1 =	seq.s32 s4, $0x3;
	[sflag:s22] =	ssyncadd.s32 $0xFFFFFF80  }
0x6f: {  	p2 =	seq.s32 @p1 s31, $0x0;
	_ =	swait.ge [sflag:s22], $0x80  }
0x70: {  	s4 =	sadd.s32 @p1 s31, s5;
	p3 =	por p2, !p1;
	[sflag:s22] =	ssyncset.done $0x0  }
0x71: {  	s4 =	sadd.s32 @p1 $0x60, s4;
	s17 =	simm.s32 @!p3 $0x6;
	[sflag:s22] =	ssyncadd.s32 $0xFFFFFF80  }
0x72: {  	p4 =	sgt.u32 @p1 s4, $0x9C3;
	_ =	swait.ge @!p3 [sflag:s17], $0x4000  }
0x73: {  	p2 =	por !p4, !p1;
	[sflag:s17] =	ssyncset.done @!p3 $0x0  }
0x74: {  	s4 =	simm.s32 @!p2 $0x80;
	[sflag:s17] =	ssyncadd.s32 @!p3 $0xFFFFC000;
	s17 =	simm.s32 @!p2 $0x4300  }
0x75: {  	[tilespmem:s17], [sflag:$0x5] =	stream.indirect.gather @!p2 [hbm4b:s1+s4], $0x80, s4, s4, $0xb8;
	[tilespmem:$0x1BB80] =	vst v63  }
0x76: {  	s4 =	simm.s32 @!p2 $0x5  }
0x77: {  	_ =	swait.ge @!p2 [sflag:s4], $0x4000  }
0x78: {  	p3 =	por p4, !p1;
	[sflag:s4] =	ssyncset.done @!p2 $0x0  }
0x79: {  	[sflag:s4] =	ssyncadd.s32 @!p2 $0xFFFFC000;
	s4 =	sadd.s32 @!p3 s29, s13  }
0x7a: {  	s17 =	simm.s32 @!p3 $0x0;
	s19 =	simm.s32 @!p3 $0x180;
	s4 =	sadd.s32 @!p3 $0x600, s4  }
0x7b: {  	[tilespmem:s19], [sflag:$0x4] =	stream.linear.gather @!p3 [hbm4b:s4+s17], $0x80, $0x38;
	[tilespmem:$0x1BB80] =	vst v63  }
0x7c: {  	s4 =	simm.s32 @!p3 $0x80;
	s19 =	simm.s32 @!p3 $0x4300  }
0x7d: {  	[tilespmem:s19], [sflag:$0x5] =	stream.indirect.gather @!p3 [hbm4b:s1+s4], $0x80, s4, s4, $0xb8;
	[tilespmem:$0x1BB80] =	vst v63  }
0x7e: {  	s19 =	simm.s32 @!p3 $0x5  }
0x7f: {  	_ =	swait.ge @!p3 [sflag:s19], $0x4000  }
0x80: {  	s6 =	sadd.s32 @!p3 s30, s13;
	[sflag:s19] =	ssyncset.done @!p3 $0x0  }
0x81: {  	s6 =	sadd.s32 @!p3 $0x600, s6;
	[sflag:s19] =	ssyncadd.s32 @!p3 $0xFFFFC000  }
0x82: {  	[tilespmem:s4], [sflag:$0x4] =	stream.linear.gather @!p3 [hbm4b:s6+s17], $0x80, $0x38;
	[tilespmem:$0x1BB80] =	vst v63  }
0x83: {  	p3 =	seq.s32 @!p1 s31, $0x0  }
0x84: {  	s4 =	sadd.s32 @!p1 s31, s5;
	p4 =	por p3, p1  }
0x85: {  	s4 =	sadd.s32 @!p1 $0x60, s4;
	s6 =	simm.s32 @!p4 $0x6  }
0x86: {  	p5 =	sgt.u32 @!p1 s4, $0x9C3;
	_ =	swait.ge @!p4 [sflag:s6], $0x4000  }
0x87: {  	p3 =	por !p5, p1;
	[sflag:s6] =	ssyncset.done @!p4 $0x0  }
0x88: {  	s4 =	simm.s32 @!p3 $0x80;
	[sflag:s6] =	ssyncadd.s32 @!p4 $0xFFFFC000;
	s6 =	simm.s32 @!p3 $0x4300  }
0x89: {  	[tilespmem:s6], [sflag:$0x5] =	stream.indirect.gather @!p3 [hbm4b:s1+s4], $0x80, s4, s4, $0xb8;
	[tilespmem:$0x1BB80] =	vst v63  }
0x8a: {  	s4 =	simm.s32 @!p3 $0x5  }
0x8b: {  	_ =	swait.ge @!p3 [sflag:s4], $0x4000  }
0x8c: {  	p4 =	por p5, p1;
	[sflag:s4] =	ssyncset.done @!p3 $0x0  }
0x8d: {  	[sflag:s4] =	ssyncadd.s32 @!p3 $0xFFFFC000;
	s4 =	sadd.s32 @!p4 s29, s13  }
0x8e: {  	s6 =	simm.s32 @!p4 $0x0;
	s17 =	simm.s32 @!p4 $0x280;
	s4 =	sadd.s32 @!p4 $0x600, s4  }
0x8f: {  	[tilespmem:s17], [sflag:$0x4] =	stream.linear.gather @!p4 [hbm4b:s4+s6], $0x80, $0x38;
	[tilespmem:$0x1BB80] =	vst v63  }
0x90: {  	s4 =	simm.s32 @!p4 $0x80;
	s17 =	simm.s32 @!p4 $0x4300  }
0x91: {  	[tilespmem:s17], [sflag:$0x5] =	stream.indirect.gather @!p4 [hbm4b:s1+s4], $0x80, s4, s4, $0xb8;
	[tilespmem:$0x1BB80] =	vst v63  }
0x92: {  	s17 =	simm.s32 @!p4 $0x5  }
0x93: {  	_ =	swait.ge @!p4 [sflag:s17], $0x4000  }
0x94: {  	s19 =	sadd.s32 @!p4 s30, s13;
	[sflag:s17] =	ssyncset.done @!p4 $0x0  }
0x95: {  	[sflag:s17] =	ssyncadd.s32 @!p4 $0xFFFFC000;
	s17 =	sadd.s32 @!p4 $0x600, s19  }
0x96: {  	[tilespmem:s4], [sflag:$0x4] =	stream.linear.gather @!p4 [hbm4b:s17+s6], $0x80, $0x38;
	[tilespmem:$0x1BB80] =	vst v63  }
.Ltmp6:
0x97: {  	_ = 	snop;
	(pc) =	sbr.rel .LBB2_6-.Ltmp6, $4  }
0x98: {  	s4 =	simm.s32 @!p2 $0x280;
	s6 =	simm.s32 @!p3 $0x180  }
0x99: {  	s4 =	simm.s32 @p2 $0x280;
	s6 =	simm.s32 @p3 $0x180  }
0x9a: {  	s6 =	smov.u32 @p1 s4  }
0x9b: {  	[spmem:s2] =	stream.indirect.scatter.add.f32 [tilespmem:s23], [sflag:$0x6], $0x80, s6, s18, $0xb8;
	[tilespmem:$0x1BB80] =	vst v63  }
.LBB2_8:
0x9c: {  	_ =	sfence.sel $0x180000  }
0x9d: {  	[bflag:$0x0] =	sbarrier.arrive $0xFFFF  }
0x9e: {  	_ =	strace $0x9000004A  }
0x9f: {  	[bflag:$0x2] =	sbarrier.arrive $0xFFFF  }
0xa0: {  	s0 =	rddreg [dreg:$0x3]  }
0xa1: {  	s0 =	sadd.s32 @!p0 $0x100000, s0  }
0xa2: {  	[sflag:s0] =	ssyncadd.tile.s32 @!p0 $0x1;
	_ =	shalt  }
.Lfunc_end2:
_tile_overlayer_lowered:
.L_overlay_start_2:
0xa3: {  	(tag) =	ssettag $0x2  }
0xa4: {  	s0 =	rddreg [dreg:$0x0];
	s2 =	stileid.u32  }
0xa5: {  	s1 =	rddreg [dreg:$0x1];
	p0 =	sne.s32 s2, $0x0  }
0xa6: {  	s3 =	rddreg [dreg:$0x2];
	[bflag:$0x3] =	sbarrier.arrive $0xFFFF;
	s2 =	simm.s32 @!p0 $0x1C07  }
0xa7: {  	[timem:s3], [sflag:s2] =	dma.local @!p0 [hbm:s0], s1  }
0xa8: {  	s0 =	simm.s32 @!p0 $0x7  }
0xa9: {  	_ =	swait.ge @!p0 [sflag:s0], s1  }
0xaa: {  	s1 =	ssub.s32 @!p0 $0x0, s1;
	[sflag:s0] =	ssyncset.done @!p0 $0x0  }
0xab: {  	[sflag:s0] =	ssyncadd.s32 @!p0 s1  }
0xac: {  	[bflag:$0x3] =	sbarrier.arrive $0xFFFF  }
0xad: {  	_ =	shalt  }

// kernel: kernel.7.cloned.1.call-start
scs
__scs_entry_jumppad:
0x0: {  	(pc) =	sbr.rel $0x88, $3  }
0x1: {  	(tag) =	ssettag $0x0;
	lr =	simm.s32 $0x1  }
0x2: {  	[smem:$0x3F95] =	sst lr;
	_ =	strace $0xD0000000  }
0x3: {  	_ = 	snop  }
0x4: {  	_ = 	snop  }
0x5: {  	_ = 	snop  }
0x6: {  	_ = 	snop  }
0x7: {  	_ = 	snop  }
__scs_overlays_trampoline_lowered:
0x8: {  	[smem:$0x3FA4] =	sst s0  }
0x9: {  	[smem:$0x3FA5] =	sst s1  }
0xa: {  	[smem:$0x3FA6] =	sst s2  }
0xb: {  	[smem:$0x3FA7] =	sst s3  }
0xc: {  	[smem:$0x3FA8] =	sst s4  }
0xd: {  	[smem:$0x3FA9] =	sst s5  }
0xe: {  	[smem:$0x3FAA] =	sst s6  }
0xf: {  	[smem:$0x3FAB] =	sst s7  }
0x10: {  	[smem:$0x3FAC] =	sst s8  }
0x11: {  	[smem:$0x3FAD] =	sst s9;
	s0 =	simm.s32 @!p0 $0x0  }
0x12: {  	s1 =	sld [smem:$0x3F93];
	s0 =	simm.s32 @p0 $0x1  }
0x13: {  	[smem:$0x3FAE] =	sst s0;
	s0 =	simm.s32 @!p1 $0x0  }
0x14: {  	s2 =	sld [smem:$0x3F92];
	s0 =	simm.s32 @p1 $0x1  }
0x15: {  	[smem:$0x3FAF] =	sst s0;
	s0 =	simm.s32 @!p2 $0x0  }
0x16: {  	s3 =	sld [smem:$0x3FDB];
	s0 =	simm.s32 @p2 $0x1  }
0x17: {  	s4 =	simm.s32 $0x1BF5;
	[smem:$0x3FB1] =	sst s0  }
0x18: {  	s0 =	sld [smem:$0x3F94];
	_ =	swait.ge [sflag:s4], $0x0  }
0x19: {  	s7 =	sld [smem:$0x3F95]  }
0x1a: {  	s8 =	sadd.s32 $0xFFFFE003, lr  }
0x1b: {  	s9 =	sadd.s32 $0xFFFFFEF7, lr;
	s5 =	simm.s32 $0xFFFFFFFF;
	p2 =	slt.u32 s8, $0xFFFFF086  }
0x1c: {  	p1 =	slt.u32 s9, $0xF7A;
	s5 =	simm.s32 @!p2 $0x0  }
0x1d: {  	s5 =	simm.s32 @p1 $0x1;
	p0 =	seq.s32 s7, s2  }
0x1e: {  	s7 =	smul.u32 @!p0 $0xF7A, s2;
	p2 =	seq.s32 @!p0 s5, $0x0  }
0x1f: {  	s9 =	smul.u32 $0xF7A, s1;
	s8 =	simm.s32 @!p0 $0x1BF5;
	p2 =	por !p2, p0  }
0x20: {  	[sflag:s8] =	ssyncset.s32 @!p0 $0xFFFFF086;
	s6 =	sadd.s32 @!p0 s3, s7;
	s7 =	simm.s32 @!p0 $0x108  }
0x21: {  	s3 =	sadd.s32 s3, s9;
	s6 =	sadd.s32 @!p0 $0x88, s6;
	s7 =	simm.s32 @p2 $0x1082  }
0x22: {  	[simem:s7], [sflag:s8] =	dma.local @!p0 [hbm:s6], $0xF7A  }
0x23: {  	s9 =	sor.u32 $0xD0000000, s2;
	s6 =	simm.s32 $0x108;
	_ =	swait.ge @!p0 [sflag:s8], $0x0  }
0x24: {  	s3 =	sadd.s32 $0x88, s3;
	s6 =	simm.s32 @!p1 $0x1082;
	[sflag:s4] =	ssyncset.s32 $0xFFFFF086  }
0x25: {  	[simem:s6], [sflag:s4] =	dma.local [hbm:s3], $0xF7A  }
0x26: {  	[smem:$0x3F95] =	sst s1;
	(tag) =	ssettag s2;
	_ =	strace s9  }
0x27: {  	s1 =	sld [smem:$0x3FA5]  }
0x28: {  	s2 =	sld [smem:$0x3FA6]  }
0x29: {  	s4 =	sld [smem:$0x3FA8]  }
0x2a: {  	p0 =	seq.s32 s5, $0x0;
	s5 =	sld [smem:$0x3FA9]  }
0x2b: {  	s6 =	sld [smem:$0x3FAA]  }
0x2c: {  	s7 =	sld [smem:$0x3FAB]  }
0x2d: {  	s3 =	simm.s32 $0x108;
	s8 =	sld [smem:$0x3FAC]  }
0x2e: {  	s3 =	simm.s32 @!p0 $0x1082;
	s9 =	sld [smem:$0x3FAD]  }
0x2f: {  	lr =	sadd.s32 s0, s3;
	s0 =	sld [smem:$0x3FA4]  }
0x30: {  	s3 =	sld [smem:$0x3FA7]  }
0x31: {  	[smem:$0x3FB0] =	sst s10  }
0x32: {  	s10 =	sld [smem:$0x3FAE];
	_ =	sdelay $0x3  }
0x33: {  	p0 =	seq.s32 s10, $0x1;
	s10 =	sld [smem:$0x3FB0];
	_ =	sdelay $0x3  }
0x34: {  	[smem:$0x3FB0] =	sst s10  }
0x35: {  	s10 =	sld [smem:$0x3FAF];
	_ =	sdelay $0x3  }
0x36: {  	p1 =	seq.s32 s10, $0x1;
	s10 =	sld [smem:$0x3FB0];
	_ =	sdelay $0x3  }
0x37: {  	[smem:$0x3FB0] =	sst s10  }
0x38: {  	s10 =	sld [smem:$0x3FB1]  }
0x39: {  	_ = 	snop;
	(pc) =	sbr.ind lr, $3  }
0x3a: {  	_ = 	snop  }
0x3b: {  	_ = 	snop  }
0x3c: {  	p2 =	seq.s32 s10, $0x1;
	s10 =	sld [smem:$0x3FB0]  }
0x3d: {  	_ =	shalt  }
0x3e: {  	_ =	shalt  }
0x3f: {  	_ =	shalt  }
0x40: {  	_ =	shalt  }
0x41: {  	_ =	shalt  }
0x42: {  	_ =	shalt  }
0x43: {  	_ =	shalt  }
0x44: {  	_ =	shalt  }
0x45: {  	_ =	shalt  }
0x46: {  	_ =	shalt  }
0x47: {  	_ =	shalt  }
0x48: {  	_ =	shalt  }
0x49: {  	_ =	shalt  }
0x4a: {  	_ =	shalt  }
0x4b: {  	_ =	shalt  }
0x4c: {  	_ =	shalt  }
0x4d: {  	_ =	shalt  }
0x4e: {  	_ =	shalt  }
0x4f: {  	_ =	shalt  }
0x50: {  	_ =	shalt  }
0x51: {  	_ =	shalt  }
0x52: {  	_ =	shalt  }
0x53: {  	_ =	shalt  }
0x54: {  	_ =	shalt  }
0x55: {  	_ =	shalt  }
0x56: {  	_ =	shalt  }
0x57: {  	_ =	shalt  }
0x58: {  	_ =	shalt  }
0x59: {  	_ =	shalt  }
0x5a: {  	_ =	shalt  }
0x5b: {  	_ =	shalt  }
0x5c: {  	_ =	shalt  }
0x5d: {  	_ =	shalt  }
0x5e: {  	_ =	shalt  }
0x5f: {  	_ =	shalt  }
0x60: {  	_ =	shalt  }
0x61: {  	_ =	shalt  }
0x62: {  	_ =	shalt  }
0x63: {  	_ =	shalt  }
0x64: {  	_ =	shalt  }
0x65: {  	_ =	shalt  }
0x66: {  	_ =	shalt  }
0x67: {  	_ =	shalt  }
0x68: {  	_ =	shalt  }
0x69: {  	_ =	shalt  }
0x6a: {  	_ =	shalt  }
0x6b: {  	_ =	shalt  }
0x6c: {  	_ =	shalt  }
0x6d: {  	_ =	shalt  }
0x6e: {  	_ =	shalt  }
0x6f: {  	_ =	shalt  }
0x70: {  	_ =	shalt  }
0x71: {  	_ =	shalt  }
0x72: {  	_ =	shalt  }
0x73: {  	_ =	shalt  }
0x74: {  	_ =	shalt  }
0x75: {  	_ =	shalt  }
0x76: {  	_ =	shalt  }
0x77: {  	_ =	shalt  }
0x78: {  	_ =	shalt  }
0x79: {  	_ =	shalt  }
0x7a: {  	_ =	shalt  }
0x7b: {  	_ =	shalt  }
0x7c: {  	_ =	shalt  }
0x7d: {  	_ =	shalt  }
0x7e: {  	_ =	shalt  }
0x7f: {  	_ =	shalt  }
0x80: {  	_ =	shalt  }
0x81: {  	_ =	shalt  }
0x82: {  	_ =	shalt  }
0x83: {  	_ =	shalt  }
0x84: {  	_ =	shalt  }
0x85: {  	_ =	shalt  }
0x86: {  	_ =	shalt  }
0x87: {  	_ =	shalt  }
.Lfunc_end0:
.L_simem_size_0:
called_computation_lowered:
.L_overlay_start_0:
0x88: {  	s2 =	sld [smem:$0x3FD9]  }
0x89: {  	s3 =	sld [smem:$0x3FFE];
	_ =	sdelay $0x1  }
0x8a: {  	s1 =	srdreg.scid  }
0x8b: {  	s0 =	sand.u32 $0x1, s1  }
0x8c: {  	s17 =	sshll.u32 s0, $0xA;
	s2 =	sadd.s32 s3, s2  }
0x8d: {  	s2 =	sadd.s32 s2, s17  }
0x8e: {  	[smem:$0x3FBC] =	sst s2  }
0x8f: {  	_ = 	snop  }
0x90: {  	s2 =	sld [smem:$0x3FD0];
	(tm) =	ssettm $0x1  }
0x91: {  	s18 =	sld [smem:$0x3FFB];
	_ =	sdelay $0x3  }
0x92: {  	_ =	strace s18  }
0x93: {  	s3 =	sld [smem:$0x3FFC];
	_ =	sdelay $0x3  }
0x94: {  	_ =	strace s3  }
0x95: {  	s3 =	sld [smem:$0x3FFD];
	_ =	sdelay $0x3  }
0x96: {  	_ =	strace s3  }
0x97: {  	_ =	strace $0x8FFFFFFF  }
0x98: {  	s19 =	sld [smem:$0x3FDB];
	_ =	sdelay $0x1  }
0x99: {  	s4 =	simm.s32 $_scs_section_size  }
0x9a: {  	s5 =	simm.s32 $_size__tile_overlayer_lowered;
	s6 =	simm.s32 $_tile_overlayer_lowered  }
0x9b: {  	s22 =	simm.s32 $0x1BFF;
	s21 =	sshll.u32 s6, $0x1;
	s3 =	sadd.s32 s4, s19  }
0x9c: {  	s7 =	simm.s32 $0x0;
	s20 =	sshll.u32 s5, $0x1;
	s5 =	sadd.s32 s21, s3  }
0x9d: {  	[timem:s7], [sflag:s22] =	dma.local [hbm:s5], s20  }
0x9e: {  	_ =	swait.ge [sflag:s22], s20  }
0x9f: {  	s4 =	ssub.s32 $0x0, s20;
	[sflag:s22] =	ssyncset.done $0x0  }
0xa0: {  	[sflag:s22] =	ssyncadd.s32 s4;
	_ =	sdelay $0x1  }
0xa1: {  	s23 =	simm.s32 $0x1B8B  }
0xa2: {  	_ =	swait.ge [sflag:s23], $0x1  }
0xa3: {  	[sflag:s23] =	ssyncset.done $0x0  }
0xa4: {  	s25 =	simm.s32 $0x1B8E;
	s24 =	sld [smem:$0x3FFE];
	[sflag:s23] =	ssyncadd.s32 $0xFFFFFFFF  }
0xa5: {  	s26 =	simm.s32 $execute0_lowered;
	[smem:$0x3FD2] =	sst s25  }
0xa6: {  	s5 =	sshll.u32 s26, $0x1;
	_ =	strace $0x80000046;
	[dreg:$0x1] =	wrdreg $0xFFFFFFFF  }
0xa7: {  	s28 =	simm.s32 $_size_execute0_lowered;
	s3 =	sadd.s32 s3, s5;
	[dreg:$0x0] =	wrdreg $0x0  }
0xa8: {  	s5 =	sshll.u32 s28, $0x1;
	[dreg:$0x2] =	wrdreg s3  }
0xa9: {  	[dreg:$0x3] =	wrdreg s5  }
0xaa: {  	[dreg:$0x4] =	wrdreg $0xC0  }
0xab: {  	_ =	task [dreg:s7], $0x5FFFF  }
0xac: {  	[dreg:$0x1] =	wrdreg $0xFFFFFFFF  }
0xad: {  	[dreg:$0x0] =	wrdreg $0x60  }
0xae: {  	[dreg:$0x2] =	wrdreg s24  }
0xaf: {  	[dreg:$0x3] =	wrdreg s2  }
0xb0: {  	[dreg:$0x4] =	wrdreg $0x1800  }
0xb1: {  	[dreg:$0x5] =	wrdreg $0x9  }
0xb2: {  	_ =	task.clear_ibuf [dreg:s7], $0x6FFFF;
	_ =	strace $0x90000046  }
0xb3: {  	s29 =	simm.s32 $0x9;
	_ =	strace $0x80000048  }
0xb4: {  	_ =	swait.ge [sflag:s29], $0x1  }
0xb5: {  	[sflag:s29] =	ssyncadd.s32 $0xFFFFFFFF  }
0xb6: {  	_ =	strace $0x90000048  }
0xb7: {  	_ =	sfence  }
0xb8: {  	s30 =	sld [smem:$0x0];
	_ =	sdelay $0x2  }
0xb9: {  	s31 =	sshll.u32 s1, $0xD;
	s1 =	sshrl.u32 s1, $0x2  }
0xba: {  	s3 =	sand.u32 $0x4000, s31;
	s1 =	sadd.s32 s1, s30  }
0xbb: {  	s0 =	sor.u32 s3, s0;
	s1 =	sshll.u32 s1, $0x11  }
0xbc: {  	s0 =	sor.u32 s1, s0  }
0xbd: {  	s0 =	sadd.s32 $0x8F2B, s0  }
0xbe: {  	[sflag:s0] =	ssyncadd.remote.s32 $0x1  }
0xbf: {  	_ =	sfence.sel $0xFFFF  }
0xc0: {  	[dreg:$0x0] =	wrdreg $0xFFFFFFFF;
	(pc) =	sbr.abs _section_cstart, $3  }
0xc1: {  	[dreg:$0x1] =	wrdreg $0xFFFFFFFF  }
0xc2: {  	_ =	task.clear_ibuf [dreg:s7], $0x2FFFF;
	_ =	strace $0x9FFFFFFF  }
0xc3: {  	(tm) =	ssettm $0x7FFFFFFF  }
tec
execute0_lowered:
.L_overlay_start_1:
0x0: {  	(tag) =	ssettag $0x1  }
0x1: {  	s5 =	rddreg [dreg:$0x0]  }
0x2: {  	s6 =	rddreg [dreg:$0x1]  }
0x3: {  	s1 =	rddreg [dreg:$0x2]  }
0x4: {  	s0 =	rddreg [dreg:$0x3]  }
0x5: {  	s2 =	simm.s32 $0x0;
	s4 =	srdreg.scid;
	s13 =	stileid.u32  }
0x6: {  	s14 =	simm.s32 $0x5;
	s16 =	simm.s32 $0x1;
	s17 =	simm.s32 $0x50  }
0x7: {  	s18 =	simm.s32 $0x80;
	s19 =	simm.s32 $0x3;
	s20 =	simm.s32 $0x2  }
0x8: {  	s21 =	simm.s32 $0x4;
	s22 =	simm.s32 $0x0;
	[smem:$0x7FF] =	sst s2  }
0x9: {  	s3 =	sadd.s32 $0xBE00, s5;
	s4 =	sand.u32 $0x1, s4;
	s11 =	smul.u32 $0x2710, s13  }
0xa: {  	p0 =	sne.s32 s13, $0x0;
	_ =	strace $0x80000047;
	s7 =	sshll.u32 s4, $0x4  }
0xb: {  	s8 =	smul.u32 $0x27100, s4;
	s9 =	ssub.s32 $0x2, s4;
	s4 =	sadd.s32 $0x15C00, s5  }
0xc: {  	s5 =	sadd.s32 $0x15E00, s5;
	s15 =	sshrl.u32 @!p0 s1, $0x3;
	s10 =	sor.u32 s13, s7  }
0xd: {  	s12 =	sshrl.u32 s9, $0x1;
	s6 =	sadd.s32 s6, s7;
	s10 =	smul.u32 $0x2710, s10  }
0xe: {  	s13 =	simm.s32 $0x100;
	s9 =	ssub.s32 s9, s12;
	s28 =	sadd.s32 s11, s8  }
0xf: {  	s30 =	sadd.s32 $0xF0, s28;
	s7 =	smax.u32 s9, $0x1;
	s29 =	sshrl.u32 s10, $0x3  }
0x10: {  	s12 =	sadd.s32 $0xA0, s28;
	s31 =	sshrl.u32 s30, $0x3;
	s8 =	sadd.s32 s3, s29  }
0x11: {  	s11 =	sadd.s32 s31, s3;
	s9 =	sadd.s32 $0xA, s8;
	s10 =	sadd.s32 $0x4D8, s8  }
.LBB2_1:
0x12: {  	[tilespmem:s13], [sflag:$0x5] =	stream.linear.gather [hbm4b:s4+s2], $0x80, $0x38;
	[tilespmem:$0x3F8] =	vst v63  }
0x13: {  	_ =	swait.ge [sflag:s14], $0x80  }
0x14: {  	[sflag:s14] =	ssyncset.done $0x0  }
0x15: {  	s23 =	simm.s32 @!p0 $0x1C05;
	[sflag:s14] =	ssyncadd.s32 $0xFFFFFF80  }
0x16: {  	[spmem:s15], [sflag:s23] =	dma.local @!p0 [hbm:s5], $0x4F0  }
0x17: {  	s23 =	simm.s32 @!p0 $0x5  }
0x18: {  	_ =	swait.ge @!p0 [sflag:s23], $0x4F0  }
0x19: {  	[sflag:s23] =	ssyncset.done @!p0 $0x0  }
0x1a: {  	[sflag:s23] =	ssyncadd.s32 @!p0 $0xFFFFFB10  }
0x1b: {  	[bflag:$0x0] =	sbarrier.arrive $0xFFFF  }
0x1c: {  	[tilespmem:s2], [sflag:$0x1] =	stream.linear.gather [hbm4b:s8+s2], $0x50, $0x38;
	[tilespmem:$0x3F8] =	vst v63  }
0x1d: {  	_ =	swait.ge [sflag:s16], $0x50  }
0x1e: {  	[sflag:s16] =	ssyncset.done $0x0  }
0x1f: {  	[sflag:s16] =	ssyncadd.s32 $0xFFFFFFB0  }
0x20: {  	[spmem:s1] =	stream.indirect.scatter.add.f32 [tilespmem:s13], [sflag:$0x2], $0x1, s2, s17, $0xb8;
	[tilespmem:$0x3F8] =	vst v63  }
0x21: {  	_ = 	snop  }
0x22: {  	[tilespmem:s18], [sflag:$0x3] =	stream.linear.gather [hbm4b:s9+s2], $0x50, $0x38;
	[tilespmem:$0x3F8] =	vst v63  }
0x23: {  	_ =	swait.ge [sflag:s19], $0x50  }
0x24: {  	[sflag:s19] =	ssyncset.done $0x0  }
0x25: {  	[sflag:s19] =	ssyncadd.s32 $0xFFFFFFB0  }
0x26: {  	[spmem:s1] =	stream.indirect.scatter.add.f32 [tilespmem:s13], [sflag:$0x4], $0x1, s18, s17, $0xb8;
	[tilespmem:$0x3F8] =	vst v63  }
0x27: {  	_ =	swait.ge [sflag:s20], $0x50  }
0x28: {  	s30 =	sshrl.u32 s12, $0x3;
	[sflag:s20] =	ssyncset.done $0x0  }
0x29: {  	s23 =	sadd.s32 s3, s30;
	[sflag:s20] =	ssyncadd.s32 $0xFFFFFFB0  }
0x2a: {  	[tilespmem:s2], [sflag:$0x1] =	stream.linear.gather [hbm4b:s23+s2], $0x50, $0x38;
	[tilespmem:$0x3F8] =	vst v63  }
0x2b: {  	_ =	swait.ge [sflag:s16], $0x50  }
0x2c: {  	[sflag:s16] =	ssyncset.done $0x0  }
0x2d: {  	[sflag:s16] =	ssyncadd.s32 $0xFFFFFFB0  }
0x2e: {  	[spmem:s1] =	stream.indirect.scatter.add.f32 [tilespmem:s13], [sflag:$0x2], $0x1, s2, s17, $0xb8;
	[tilespmem:$0x3F8] =	vst v63  }
0x2f: {  	_ =	swait.ge [sflag:s21], $0x50  }
0x30: {  	[sflag:s21] =	ssyncset.done $0x0  }
0x31: {  	s31 =	sadd.s32 $0x0, s11;
	[sflag:s21] =	ssyncadd.s32 $0xFFFFFFB0  }
0x32: {  	[tilespmem:s18], [sflag:$0x3] =	stream.linear.gather [hbm4b:s31+s2], $0x50, $0x38;
	[tilespmem:$0x3F8] =	vst v63  }
0x33: {  	_ =	swait.ge [sflag:s19], $0x50  }
0x34: {  	[sflag:s19] =	ssyncset.done $0x0  }
0x35: {  	s24 =	sadd.s32 $0xA0, s12;
	s23 =	simm.s32 $0x14;
	[sflag:s19] =	ssyncadd.s32 $0xFFFFFFB0  }
.LBB2_2:
0x36: {  	[spmem:s1] =	stream.indirect.scatter.add.f32 [tilespmem:s13], [sflag:$0x4], $0x1, s18, s17, $0xb8;
	[tilespmem:$0x3F8] =	vst v63  }
0x37: {  	s25 =	smov.u32 s23  }
0x38: {  	p1 =	sne.s32 s23, $0x4B0;
	s23 =	sadd.s32 $0x14, s23;
	_ =	swait.ge [sflag:s20], $0x50  }
0x39: {  	s26 =	sshrl.u32 s24, $0x3;
	[sflag:s20] =	ssyncset.done $0x0  }
0x3a: {  	s26 =	sadd.s32 s3, s26;
	[sflag:s20] =	ssyncadd.s32 $0xFFFFFFB0  }
0x3b: {  	[tilespmem:s2], [sflag:$0x1] =	stream.linear.gather [hbm4b:s26+s2], $0x50, $0x38;
	[tilespmem:$0x3F8] =	vst v63  }
0x3c: {  	_ =	swait.ge [sflag:s16], $0x50  }
0x3d: {  	[sflag:s16] =	ssyncset.done $0x0  }
0x3e: {  	[sflag:s16] =	ssyncadd.s32 $0xFFFFFFB0  }
0x3f: {  	[spmem:s1] =	stream.indirect.scatter.add.f32 [tilespmem:s13], [sflag:$0x2], $0x1, s2, s17, $0xb8;
	[tilespmem:$0x3F8] =	vst v63  }
0x40: {  	_ =	swait.ge [sflag:s21], $0x50  }
0x41: {  	[sflag:s21] =	ssyncset.done $0x0  }
.Ltmp0:
0x42: {  	s25 =	sadd.s32 s25, s11;
	[sflag:s21] =	ssyncadd.s32 $0xFFFFFFB0;
	(pc) =	sbr.rel @p1 .LBB2_2-.Ltmp0, $4  }
0x43: {  	[tilespmem:s18], [sflag:$0x3] =	stream.linear.gather [hbm4b:s25+s2], $0x50, $0x38;
	[tilespmem:$0x3F8] =	vst v63  }
0x44: {  	_ =	swait.ge [sflag:s19], $0x50  }
0x45: {  	[sflag:s19] =	ssyncset.done $0x0  }
0x46: {  	s24 =	sadd.s32 $0xA0, s24;
	[sflag:s19] =	ssyncadd.s32 $0xFFFFFFB0  }
0x47: {  	[spmem:s1] =	stream.indirect.scatter.add.f32 [tilespmem:s13], [sflag:$0x4], $0x1, s18, s17, $0xb8;
	[tilespmem:$0x3F8] =	vst v63  }
0x48: {  	_ =	swait.ge [sflag:s20], $0x50  }
0x49: {  	[sflag:s20] =	ssyncset.done $0x0  }
0x4a: {  	[sflag:s20] =	ssyncadd.s32 $0xFFFFFFB0  }
0x4b: {  	[tilespmem:s2], [sflag:$0x1] =	stream.linear.gather [hbm4b:s10+s2], $0x50, $0x38;
	[tilespmem:$0x3F8] =	vst v63  }
0x4c: {  	_ =	swait.ge [sflag:s16], $0x50  }
0x4d: {  	[sflag:s16] =	ssyncset.done $0x0  }
0x4e: {  	[sflag:s16] =	ssyncadd.s32 $0xFFFFFFB0  }
0x4f: {  	[spmem:s1] =	stream.indirect.scatter.add.f32 [tilespmem:s13], [sflag:$0x2], $0x1, s2, s17, $0xb8;
	[tilespmem:$0x3F8] =	vst v63  }
0x50: {  	_ =	swait.ge [sflag:s20], $0x50  }
0x51: {  	[sflag:s20] =	ssyncset.done $0x0  }
0x52: {  	[sflag:s20] =	ssyncadd.s32 $0xFFFFFFB0  }
0x53: {  	_ =	swait.ge [sflag:s21], $0x50  }
0x54: {  	s23 =	simm.s32 @!p0 $0x1;
	s24 =	simm.s32 @!p0 $0x20;
	[sflag:s21] =	ssyncset.done $0x0  }
0x55: {  	s25 =	simm.s32 @!p0 $0x10;
	s22 =	sadd.s32 $0x1, s22;
	[sflag:s21] =	ssyncadd.s32 $0xFFFFFFB0  }
0x56: {  	s26 =	simm.s32 @!p0 $0x1C05;
	p1 =	sne.s32 s22, s7;
	[bflag:$0x0] =	sbarrier.arrive $0xFFFF  }
0x57: {  	[hbm:s6@s24], [sflag:s26] =	dma.strided @!p0 [spmem:s15@s25], $0x4F0, s23, $0x10   }
.Ltmp1:
0x58: {  	_ = 	snop;
	(pc) =	sbr.rel @p1 .LBB2_1-.Ltmp1, $4  }
0x59: {  	s23 =	simm.s32 @!p0 $0x5  }
0x5a: {  	_ =	swait.ge @!p0 [sflag:s23], $0x4F0  }
0x5b: {  	[sflag:s23] =	ssyncset.done @!p0 $0x0  }
0x5c: {  	[sflag:s23] =	ssyncadd.s32 @!p0 $0xFFFFFB10  }
0x5d: {  	_ =	sfence.sel $0x180000  }
0x5e: {  	[bflag:$0x0] =	sbarrier.arrive $0xFFFF  }
0x5f: {  	_ =	strace $0x90000047  }
0x60: {  	s0 =	sadd.s32 @!p0 $0x100000, s0;
	[bflag:$0x2] =	sbarrier.arrive $0xFFFF  }
0x61: {  	[sflag:s0] =	ssyncadd.tile.s32 @!p0 $0x1;
	_ =	shalt  }
.Lfunc_end2:
_tile_overlayer_lowered:
.L_overlay_start_2:
0x62: {  	(tag) =	ssettag $0x2  }
0x63: {  	s0 =	rddreg [dreg:$0x0];
	s2 =	stileid.u32  }
0x64: {  	s1 =	rddreg [dreg:$0x1];
	p0 =	sne.s32 s2, $0x0  }
0x65: {  	s3 =	rddreg [dreg:$0x2];
	[bflag:$0x3] =	sbarrier.arrive $0xFFFF;
	s2 =	simm.s32 @!p0 $0x1C05  }
0x66: {  	[timem:s3], [sflag:s2] =	dma.local @!p0 [hbm:s0], s1  }
0x67: {  	s0 =	simm.s32 @!p0 $0x5  }
0x68: {  	_ =	swait.ge @!p0 [sflag:s0], s1  }
0x69: {  	s1 =	ssub.s32 @!p0 $0x0, s1;
	[sflag:s0] =	ssyncset.done @!p0 $0x0  }
0x6a: {  	[sflag:s0] =	ssyncadd.s32 @!p0 s1  }
0x6b: {  	[bflag:$0x3] =	sbarrier.arrive $0xFFFF  }
0x6c: {  	_ =	shalt  }

</sc_bundles>
